<compile_context>
chip_gen: v7x
topology: tpu7x:2x2x1
jax: 0.10.2.dev20260603
libtpu: 0.0.44.dev20260713+nightly
codegen_flags: <defaults>
</compile_context>

<pallas_src>
import jax
import jax.numpy as jnp
from jax import lax
from jax.experimental import pallas as pl
from jax.experimental.pallas import tpu as pltpu
from jax.experimental.pallas import tpu_sc as plsc

BS = 8
H = 256
NV = 6890
NF = 13776

NC = 2
NS = 16
L = 16
W = NC * NS
WPB = W // BS
RPW = H // WPB
RCH = 8
NVUP = 6896
FCH = 1968


def _body(cams_hbm, verts_hbm, faces_hbm, fim_hbm, out_hbm,
          cams_v, verts_v, faces_v, px_v, py_v, bcx_v, bcy_v, fim_v, out_v):
    s = lax.axis_index("s")
    c = lax.axis_index("c")
    wid = s * NC + c
    b = wid // WPB
    q = wid % WPB

    pltpu.sync_copy(cams_hbm, cams_v)
    pltpu.sync_copy(verts_hbm.at[b], verts_v)

    iota = lax.iota(jnp.int32, L)
    zero = iota * 0

    bsplat = zero + b
    cam0 = plsc.load_gather(cams_v, [bsplat, zero])
    cam1 = plsc.load_gather(cams_v, [bsplat, zero + 1])
    cam2 = plsc.load_gather(cams_v, [bsplat, zero + 2])

    def p1(i, carry):
        vi = iota + i * L
        xv = plsc.load_gather(verts_v, [vi, zero])
        yv = plsc.load_gather(verts_v, [vi, zero + 1])
        px_v[pl.ds(i * L, L)] = cam0 * (xv + cam1)
        py_v[pl.ds(i * L, L)] = cam0 * (yv + cam2)
        return carry

    lax.fori_loop(0, NVUP // L, p1, 0, unroll=4)

    def p2chunk(ch, carry):
        f0g = ch * FCH
        pltpu.sync_copy(faces_hbm.at[pl.ds(f0g, FCH)], faces_v)

        def p2(i, icarry):
            fi = iota + i * L
            f0 = plsc.load_gather(faces_v, [fi, zero])
            f1 = plsc.load_gather(faces_v, [fi, zero + 1])
            f2 = plsc.load_gather(faces_v, [fi, zero + 2])
            sx = (plsc.load_gather(px_v, [f0]) + plsc.load_gather(px_v, [f1])
                  + plsc.load_gather(px_v, [f2]))
            sy = (plsc.load_gather(py_v, [f0]) + plsc.load_gather(py_v, [f1])
                  + plsc.load_gather(py_v, [f2]))
            bcx_v[pl.ds(f0g + i * L, L)] = sx * jnp.float32(1.0 / 3.0)
            bcy_v[pl.ds(f0g + i * L, L)] = sy * jnp.float32(1.0 / 3.0)
            return icarry

        lax.fori_loop(0, FCH // L, p2, 0, unroll=4)
        return carry

    lax.fori_loop(0, NF // FCH, p2chunk, 0)

    row0 = q * RPW

    def chunk(ci, carry):
        r0 = row0 + ci * RCH
        pltpu.sync_copy(fim_hbm.at[b, pl.ds(r0, RCH)], fim_v)

        def row(r, rcarry):
            rsplat = zero + r

            def col(v, ccarry):
                t = fim_v[r, pl.ds(v * L, L)]
                mask = t >= 0
                tc = jnp.minimum(jnp.maximum(t, 0), NF - 1)
                gx = plsc.load_gather(bcx_v, [tc])
                gy = plsc.load_gather(bcy_v, [tc])
                rx = jnp.where(mask, gx, jnp.float32(-1.0))
                ry = jnp.where(mask, gy, jnp.float32(-1.0))
                cidx = iota * 2 + v * (L * 2)
                plsc.store_scatter(out_v, [rsplat, cidx], rx)
                plsc.store_scatter(out_v, [rsplat, cidx + 1], ry)
                return ccarry

            return lax.fori_loop(0, H // L, col, rcarry, unroll=4)

        lax.fori_loop(0, RCH, row, 0)
        pltpu.sync_copy(out_v, out_hbm.at[b, pl.ds(r0, RCH)])
        return carry

    lax.fori_loop(0, RPW // RCH, chunk, 0)


@jax.jit
def _run(cams, verts, faces_a, fim):
    mesh = plsc.VectorSubcoreMesh(core_axis_name="c", subcore_axis_name="s",
                                  num_cores=NC, num_subcores=NS)
    f = pl.kernel(
        _body,
        out_type=jax.ShapeDtypeStruct((BS, H, 2 * H), jnp.float32),
        mesh=mesh,
        compiler_params=pltpu.CompilerParams(needs_layout_passes=False,
                                             use_tc_tiling_on_sc=False),
        scratch_types=[
            pltpu.VMEM((BS, 3), jnp.float32),
            pltpu.VMEM((NVUP, 3), jnp.float32),
            pltpu.VMEM((FCH, 3), jnp.int32),
            pltpu.VMEM((NVUP,), jnp.float32),
            pltpu.VMEM((NVUP,), jnp.float32),
            pltpu.VMEM((NF,), jnp.float32),
            pltpu.VMEM((NF,), jnp.float32),
            pltpu.VMEM((RCH, H), jnp.int32),
            pltpu.VMEM((RCH, 2 * H), jnp.float32),
        ],
    )
    return f(cams, verts, faces_a, fim)


def kernel(src_cams, src_verts, faces, src_fim, tgt_fim):
    del src_fim
    verts = jnp.pad(src_verts.astype(jnp.float32), ((0, 0), (0, NVUP - NV), (0, 0)))
    out = _run(src_cams.astype(jnp.float32), verts,
               faces.astype(jnp.int32), tgt_fim.astype(jnp.int32))
    return out.reshape(BS, H, H, 2)

# --- scband reference (transcript-rebuilt; emitter-appended) ---
"""Pipeline reference for scband-body-recovery-flow-26448408608792 (READ-ONLY COPY).

The authoritative reference and input builder live on the scoring server;
editing this copy changes nothing except your own understanding.
"""

import jax, jax.numpy as jnp
import numpy as np

BS = 8
H = 256
NV = 6890
NF = 13776

def setup_inputs(seed: int = 0) -> dict:
    key = jax.random.key(seed)
    k1, k2, k3, k4, k5 = jax.random.split(key, 5)
    src_cams = jax.random.normal(k1, (BS, 3), dtype=jnp.float32) * 0.1 + jnp.array([1.0, 0.0, 0.0], dtype=jnp.float32)
    src_verts = jax.random.normal(k2, (BS, NV, 3), dtype=jnp.float32) * 0.5
    faces = jax.random.randint(k3, (NF, 3), 0, NV, dtype=jnp.int64) if jax.config.jax_enable_x64 else jax.random.randint(k3, (NF, 3), 0, NV).astype(jnp.int32)
    # fim values in [-1, NF-1]; -1 means background (no face at that pixel)
    src_fim = jax.random.randint(k4, (BS, H, H), 0, NF + 1) - 1
    tgt_fim = jax.random.randint(k5, (BS, H, H), 0, NF + 1) - 1
    return {"src_cams": src_cams, "src_verts": src_verts, "faces": faces,
            "src_fim": src_fim, "tgt_fim": tgt_fim}

def reference(src_cams, src_verts, faces, src_fim, tgt_fim):
    # --- batch_orth_proj_idrot: weak-perspective projection ---
    cam = src_cams[:, None, :]                                  # [BS, 1, 3]
    points = cam[:, :, 0:1] * (src_verts[:, :, :2] + cam[:, :, 1:3])  # [BS, NV, 2]
    # --- points_to_faces: gather per-face vertex coords ---
    f2pts = points[:, faces]                                    # [BS, NF, 3, 2]
    # --- compute_barycenter: mean of the 3 face vertices ---
    bc = jnp.mean(f2pts, axis=2)                                # [BS, NF, 2]
    # --- _transformer (only_visible=False branch) ---
    # T initialized to -1; pixels with a valid target face id gather that
    # face's barycenter flow; others stay -1.
    idx = jnp.clip(tgt_fim, 0, NF - 1)                          # [BS, H, H]
    flows = jax.vmap(lambda b, i: b[i])(bc, idx)                # [BS, H, H, 2]
    mask = (tgt_fim != -1)[..., None]
    T = jnp.where(mask, flows, jnp.float32(-1.0))               # [BS, H, H, 2]
    return T

if False:  # reference __main__ guard neutralized (emitter)
    out = reference(**setup_inputs())
    print(out.shape, out.dtype)

if __name__ == "__main__":
    import jax
    _d = setup_inputs()
    print(jax.jit(kernel)(*tuple(_d.values())))

</pallas_src>

<mosaic_0001>
#map = affine_map<(d0, d1) -> (0, 0)>
#map1 = affine_map<(d0, d1) -> (0, 0, 0)>
module attributes {stable_mosaic.version = 14 : i64} {
  func.func @_body(%arg0: i32, %arg1: i32, %arg2: memref<8x3xf32, #tpu.memory_space<hbm>>, %arg3: memref<8x6896x3xf32, #tpu.memory_space<hbm>>, %arg4: memref<13776x3xi32, #tpu.memory_space<hbm>>, %arg5: memref<8x256x256xi32, #tpu.memory_space<hbm>>, %arg6: memref<8x256x512xf32, #tpu.memory_space<hbm>>, %arg7: memref<8x3xf32, #tpu.memory_space<vmem>>, %arg8: memref<6896x3xf32, #tpu.memory_space<vmem>>, %arg9: memref<1968x3xi32, #tpu.memory_space<vmem>>, %arg10: memref<6896xf32, #tpu.memory_space<vmem>>, %arg11: memref<6896xf32, #tpu.memory_space<vmem>>, %arg12: memref<13776xf32, #tpu.memory_space<vmem>>, %arg13: memref<13776xf32, #tpu.memory_space<vmem>>, %arg14: memref<8x256xi32, #tpu.memory_space<vmem>>, %arg15: memref<8x512xf32, #tpu.memory_space<vmem>>) attributes {dimension_semantics = [#tpu.dimension_semantics<core_parallel>, #tpu.dimension_semantics<subcore_parallel>], iteration_bounds = array<i64: 2, 16>, scalar_prefetch = 0 : i64, scratch_operands = 9 : i64, tpu.core_type = #tpu.core_type<sc_vector_subcore>, window_params = [{transform_indices = #map}, {transform_indices = #map1}, {transform_indices = #map}, {transform_indices = #map1}, {transform_indices = #map1}]} {
    %mul3A = arith.constant 2 : i32
    %mul3A_0 = arith.muli %arg1, %mul3A : i32
    %add3A = arith.addi %mul3A_0, %arg0 : i32
    %jit3A = arith.constant 4 : i32
    %div3A = arith.divsi %add3A, %jit3A : i32
    %sign3A = arith.constant 0 : i32
    %sign3A_1 = arith.cmpi sgt, %add3A, %sign3A : i32
    %sign3A_2 = arith.extui %sign3A_1 : i1 to i32
    %sign3A_3 = arith.constant 0 : i32
    %sign3A_4 = arith.cmpi slt, %add3A, %sign3A_3 : i32
    %sign3A_5 = arith.extui %sign3A_4 : i1 to i32
    %sign3A_6 = arith.subi %sign3A_2, %sign3A_5 : i32
    %sign3A_7 = arith.constant 0 : i32
    %sign3A_8 = arith.cmpi sgt, %jit3A, %sign3A_7 : i32
    %sign3A_9 = arith.extui %sign3A_8 : i1 to i32
    %sign3A_10 = arith.constant 0 : i32
    %sign3A_11 = arith.cmpi slt, %jit3A, %sign3A_10 : i32
    %sign3A_12 = arith.extui %sign3A_11 : i1 to i32
    %sign3A_13 = arith.subi %sign3A_9, %sign3A_12 : i32
    %ne3A = arith.cmpi ne, %sign3A_6, %sign3A_13 : i32
    %rem3A = arith.remsi %add3A, %jit3A : i32
    %ne3A_14 = arith.constant 0 : i32
    %ne3A_15 = arith.cmpi ne, %rem3A, %ne3A_14 : i32
    %and3A = arith.andi %ne3A, %ne3A_15 : i1
    %sub3A = arith.constant 1 : i32
    %sub3A_16 = arith.subi %div3A, %sub3A : i32
    %select_n3A = arith.select %and3A, %sub3A_16, %div3A : i32
    %jit3A_17 = arith.constant 4 : i32
    %eq3A = arith.constant 0 : i32
    %eq3A_18 = arith.cmpi eq, %jit3A_17, %eq3A : i32
    %jit3A_19 = arith.constant 1 : i32
    %select_n3A_20 = arith.select %eq3A_18, %jit3A_19, %jit3A_17 : i32
    %rem3A_21 = arith.remsi %add3A, %select_n3A_20 : i32
    %ne3A_22 = arith.constant 0 : i32
    %ne3A_23 = arith.cmpi ne, %rem3A_21, %ne3A_22 : i32
    %lt3A = arith.constant 0 : i32
    %lt3A_24 = arith.cmpi slt, %rem3A_21, %lt3A : i32
    %lt3A_25 = arith.constant 0 : i32
    %lt3A_26 = arith.cmpi slt, %select_n3A_20, %lt3A_25 : i32
    %ne3A_27 = arith.xori %lt3A_24, %lt3A_26 : i1
    %and3A_28 = arith.andi %ne3A_27, %ne3A_23 : i1
    %add3A_29 = arith.addi %rem3A_21, %select_n3A_20 : i32
    %select_n3A_30 = arith.select %and3A_28, %add3A_29, %rem3A_21 : i32
    "tpu.region"() ({
      %run_scoped3A = tpu.sem_alloc : memref<!tpu.dma_semaphore, #tpu.memory_space<semaphore_mem>>
      tpu.enqueue_dma source(%arg2 : memref<8x3xf32, #tpu.memory_space<hbm>>) target(%arg7 : memref<8x3xf32, #tpu.memory_space<vmem>>) target_semaphore(%run_scoped3A : memref<!tpu.dma_semaphore, #tpu.memory_space<semaphore_mem>>)
      tpu.wait_dma2 semaphore(%run_scoped3A : memref<!tpu.dma_semaphore, #tpu.memory_space<semaphore_mem>>) src(%arg2 : memref<8x3xf32, #tpu.memory_space<hbm>>) dst(%arg7 : memref<8x3xf32, #tpu.memory_space<vmem>>)
      tpu.yield
    }) : () -> ()
    "tpu.region"() ({
      %run_scoped3A = tpu.sem_alloc : memref<!tpu.dma_semaphore, #tpu.memory_space<semaphore_mem>>
      %dma_start3A = arith.constant 0 : i32
      %dma_start3A_131 = arith.constant 0 : i32
      %dma_start3A_132 = tpu.memref_slice %arg3[%select_n3A, %dma_start3A, %dma_start3A_131] : memref<8x6896x3xf32, #tpu.memory_space<hbm>> -> memref<1x6896x3xf32, #tpu.memory_space<hbm>>
      %dma_start3A_133 = tpu.memref_squeeze %dma_start3A_132 : memref<1x6896x3xf32, #tpu.memory_space<hbm>> -> memref<6896x3xf32, #tpu.memory_space<hbm>>
      %dma_start3A_134 = arith.constant 0 : i32
      %dma_start3A_135 = arith.constant 0 : i32
      %dma_start3A_136 = tpu.memref_slice %arg3[%select_n3A, %dma_start3A_134, %dma_start3A_135] : memref<8x6896x3xf32, #tpu.memory_space<hbm>> -> memref<1x6896x3xf32, #tpu.memory_space<hbm>>
      %dma_start3A_137 = tpu.memref_squeeze %dma_start3A_136 : memref<1x6896x3xf32, #tpu.memory_space<hbm>> -> memref<6896x3xf32, #tpu.memory_space<hbm>>
      tpu.enqueue_dma source(%dma_start3A_137 : memref<6896x3xf32, #tpu.memory_space<hbm>>) target(%arg8 : memref<6896x3xf32, #tpu.memory_space<vmem>>) target_semaphore(%run_scoped3A : memref<!tpu.dma_semaphore, #tpu.memory_space<semaphore_mem>>)
      %dma_wait3A = arith.constant 0 : i32
      %dma_wait3A_138 = arith.constant 0 : i32
      %dma_wait3A_139 = tpu.memref_slice %arg3[%select_n3A, %dma_wait3A, %dma_wait3A_138] : memref<8x6896x3xf32, #tpu.memory_space<hbm>> -> memref<1x6896x3xf32, #tpu.memory_space<hbm>>
      %dma_wait3A_140 = tpu.memref_squeeze %dma_wait3A_139 : memref<1x6896x3xf32, #tpu.memory_space<hbm>> -> memref<6896x3xf32, #tpu.memory_space<hbm>>
      %dma_wait3A_141 = arith.constant 0 : i32
      %dma_wait3A_142 = arith.constant 0 : i32
      %dma_wait3A_143 = tpu.memref_slice %arg3[%select_n3A, %dma_wait3A_141, %dma_wait3A_142] : memref<8x6896x3xf32, #tpu.memory_space<hbm>> -> memref<1x6896x3xf32, #tpu.memory_space<hbm>>
      %dma_wait3A_144 = tpu.memref_squeeze %dma_wait3A_143 : memref<1x6896x3xf32, #tpu.memory_space<hbm>> -> memref<6896x3xf32, #tpu.memory_space<hbm>>
      tpu.wait_dma2 semaphore(%run_scoped3A : memref<!tpu.dma_semaphore, #tpu.memory_space<semaphore_mem>>) src(%dma_wait3A_144 : memref<6896x3xf32, #tpu.memory_space<hbm>>) dst(%arg8 : memref<6896x3xf32, #tpu.memory_space<vmem>>)
      tpu.yield
    }) : () -> ()
    %iota3A = tpu.iota {dimensions = array<i32: 0>} : vector<16xi32>
    %mul3A_31 = arith.constant 0 : i32
    %mul3A_32 = vector.broadcast %mul3A_31 : i32 to vector<16xi32>
    %mul3A_33 = arith.muli %iota3A, %mul3A_32 : vector<16xi32>
    %add3A_34 = vector.broadcast %select_n3A : i32 to vector<16xi32>
    %add3A_35 = arith.addi %mul3A_33, %add3A_34 : vector<16xi32>
    %gather3A = tpu.vector_load_idx %arg7[%add3A_35, %mul3A_33] : memref<8x3xf32, #tpu.memory_space<vmem>>[vector<16xi32>, vector<16xi32>], vector<16xf32>,
    %add3A_36 = arith.constant 1 : i32
    %add3A_37 = vector.broadcast %add3A_36 : i32 to vector<16xi32>
    %add3A_38 = arith.addi %mul3A_33, %add3A_37 : vector<16xi32>
    %gather3A_39 = tpu.vector_load_idx %arg7[%add3A_35, %add3A_38] : memref<8x3xf32, #tpu.memory_space<vmem>>[vector<16xi32>, vector<16xi32>], vector<16xf32>,
    %add3A_40 = arith.constant 2 : i32
    %add3A_41 = vector.broadcast %add3A_40 : i32 to vector<16xi32>
    %add3A_42 = arith.addi %mul3A_33, %add3A_41 : vector<16xi32>
    %gather3A_43 = tpu.vector_load_idx %arg7[%add3A_35, %add3A_42] : memref<8x3xf32, #tpu.memory_space<vmem>>[vector<16xi32>, vector<16xi32>], vector<16xf32>,
    %scan3A = arith.constant 0 : i32
    %scan3A_44 = arith.constant 0 : i32
    %scan3A_45 = arith.constant 428 : i32
    %scan3A_46 = arith.addi %scan3A_44, %scan3A_45 : i32
    %scan3A_47 = arith.constant 4 : i32
    scf.for %scan3A_131 = %scan3A_44 to %scan3A_46 step %scan3A_47  : i32 {
      %mul3A_132 = arith.constant 16 : i32
      %mul3A_133 = arith.muli %scan3A_131, %mul3A_132 : i32
      %add3A_134 = vector.broadcast %mul3A_133 : i32 to vector<16xi32>
      %add3A_135 = arith.addi %iota3A, %add3A_134 : vector<16xi32>
      %gather3A_136 = tpu.vector_load_idx %arg8[%add3A_135, %mul3A_33] : memref<6896x3xf32, #tpu.memory_space<vmem>>[vector<16xi32>, vector<16xi32>], vector<16xf32>,
      %add3A_137 = arith.constant 1 : i32
      %add3A_138 = vector.broadcast %add3A_137 : i32 to vector<16xi32>
      %add3A_139 = arith.addi %mul3A_33, %add3A_138 : vector<16xi32>
      %gather3A_140 = tpu.vector_load_idx %arg8[%add3A_135, %add3A_139] : memref<6896x3xf32, #tpu.memory_space<vmem>>[vector<16xi32>, vector<16xi32>], vector<16xf32>,
      %add3A_141 = arith.addf %gather3A_136, %gather3A_39 : vector<16xf32>
      %mul3A_142 = arith.mulf %gather3A, %add3A_141 : vector<16xf32>
      %mul3A_143 = arith.constant 16 : i32
      %mul3A_144 = arith.muli %scan3A_131, %mul3A_143 : i32
      %swap3A_145 = arith.index_cast %mul3A_144 : i32 to index
      %swap3A_146 = tpu.vector_load %arg10[%swap3A_145] {strides = array<i32>} : memref<6896xf32, #tpu.memory_space<vmem>>, vector<16xf32>,
      tpu.vector_store %arg10[%swap3A_145], %mul3A_142 {strides = array<i32>} : memref<6896xf32, #tpu.memory_space<vmem>>, vector<16xf32>,
      %add3A_147 = arith.addf %gather3A_140, %gather3A_43 : vector<16xf32>
      %mul3A_148 = arith.mulf %gather3A, %add3A_147 : vector<16xf32>
      %mul3A_149 = arith.constant 16 : i32
      %mul3A_150 = arith.muli %scan3A_131, %mul3A_149 : i32
      %swap3A_151 = arith.index_cast %mul3A_150 : i32 to index
      %swap3A_152 = tpu.vector_load %arg11[%swap3A_151] {strides = array<i32>} : memref<6896xf32, #tpu.memory_space<vmem>>, vector<16xf32>,
      tpu.vector_store %arg11[%swap3A_151], %mul3A_148 {strides = array<i32>} : memref<6896xf32, #tpu.memory_space<vmem>>, vector<16xf32>,
      %scan3A_153 = arith.constant 1 : i32
      %scan3A_154 = arith.addi %scan3A_131, %scan3A_153 : i32
      %mul3A_155 = arith.constant 16 : i32
      %mul3A_156 = arith.muli %scan3A_154, %mul3A_155 : i32
      %add3A_157 = vector.broadcast %mul3A_156 : i32 to vector<16xi32>
      %add3A_158 = arith.addi %iota3A, %add3A_157 : vector<16xi32>
      %gather3A_159 = tpu.vector_load_idx %arg8[%add3A_158, %mul3A_33] : memref<6896x3xf32, #tpu.memory_space<vmem>>[vector<16xi32>, vector<16xi32>], vector<16xf32>,
      %add3A_160 = arith.constant 1 : i32
      %add3A_161 = vector.broadcast %add3A_160 : i32 to vector<16xi32>
      %add3A_162 = arith.addi %mul3A_33, %add3A_161 : vector<16xi32>
      %gather3A_163 = tpu.vector_load_idx %arg8[%add3A_158, %add3A_162] : memref<6896x3xf32, #tpu.memory_space<vmem>>[vector<16xi32>, vector<16xi32>], vector<16xf32>,
      %add3A_164 = arith.addf %gather3A_159, %gather3A_39 : vector<16xf32>
      %mul3A_165 = arith.mulf %gather3A, %add3A_164 : vector<16xf32>
      %mul3A_166 = arith.constant 16 : i32
      %mul3A_167 = arith.muli %scan3A_154, %mul3A_166 : i32
      %swap3A_168 = arith.index_cast %mul3A_167 : i32 to index
      %swap3A_169 = tpu.vector_load %arg10[%swap3A_168] {strides = array<i32>} : memref<6896xf32, #tpu.memory_space<vmem>>, vector<16xf32>,
      tpu.vector_store %arg10[%swap3A_168], %mul3A_165 {strides = array<i32>} : memref<6896xf32, #tpu.memory_space<vmem>>, vector<16xf32>,
      %add3A_170 = arith.addf %gather3A_163, %gather3A_43 : vector<16xf32>
      %mul3A_171 = arith.mulf %gather3A, %add3A_170 : vector<16xf32>
      %mul3A_172 = arith.constant 16 : i32
      %mul3A_173 = arith.muli %scan3A_154, %mul3A_172 : i32
      %swap3A_174 = arith.index_cast %mul3A_173 : i32 to index
      %swap3A_175 = tpu.vector_load %arg11[%swap3A_174] {strides = array<i32>} : memref<6896xf32, #tpu.memory_space<vmem>>, vector<16xf32>,
      tpu.vector_store %arg11[%swap3A_174], %mul3A_171 {strides = array<i32>} : memref<6896xf32, #tpu.memory_space<vmem>>, vector<16xf32>,
      %scan3A_176 = arith.constant 2 : i32
      %scan3A_177 = arith.addi %scan3A_131, %scan3A_176 : i32
      %mul3A_178 = arith.constant 16 : i32
      %mul3A_179 = arith.muli %scan3A_177, %mul3A_178 : i32
      %add3A_180 = vector.broadcast %mul3A_179 : i32 to vector<16xi32>
      %add3A_181 = arith.addi %iota3A, %add3A_180 : vector<16xi32>
      %gather3A_182 = tpu.vector_load_idx %arg8[%add3A_181, %mul3A_33] : memref<6896x3xf32, #tpu.memory_space<vmem>>[vector<16xi32>, vector<16xi32>], vector<16xf32>,
      %add3A_183 = arith.constant 1 : i32
      %add3A_184 = vector.broadcast %add3A_183 : i32 to vector<16xi32>
      %add3A_185 = arith.addi %mul3A_33, %add3A_184 : vector<16xi32>
      %gather3A_186 = tpu.vector_load_idx %arg8[%add3A_181, %add3A_185] : memref<6896x3xf32, #tpu.memory_space<vmem>>[vector<16xi32>, vector<16xi32>], vector<16xf32>,
      %add3A_187 = arith.addf %gather3A_182, %gather3A_39 : vector<16xf32>
      %mul3A_188 = arith.mulf %gather3A, %add3A_187 : vector<16xf32>
      %mul3A_189 = arith.constant 16 : i32
      %mul3A_190 = arith.muli %scan3A_177, %mul3A_189 : i32
      %swap3A_191 = arith.index_cast %mul3A_190 : i32 to index
      %swap3A_192 = tpu.vector_load %arg10[%swap3A_191] {strides = array<i32>} : memref<6896xf32, #tpu.memory_space<vmem>>, vector<16xf32>,
      tpu.vector_store %arg10[%swap3A_191], %mul3A_188 {strides = array<i32>} : memref<6896xf32, #tpu.memory_space<vmem>>, vector<16xf32>,
      %add3A_193 = arith.addf %gather3A_186, %gather3A_43 : vector<16xf32>
      %mul3A_194 = arith.mulf %gather3A, %add3A_193 : vector<16xf32>
      %mul3A_195 = arith.constant 16 : i32
      %mul3A_196 = arith.muli %scan3A_177, %mul3A_195 : i32
      %swap3A_197 = arith.index_cast %mul3A_196 : i32 to index
      %swap3A_198 = tpu.vector_load %arg11[%swap3A_197] {strides = array<i32>} : memref<6896xf32, #tpu.memory_space<vmem>>, vector<16xf32>,
      tpu.vector_store %arg11[%swap3A_197], %mul3A_194 {strides = array<i32>} : memref<6896xf32, #tpu.memory_space<vmem>>, vector<16xf32>,
      %scan3A_199 = arith.constant 3 : i32
      %scan3A_200 = arith.addi %scan3A_131, %scan3A_199 : i32
      %mul3A_201 = arith.constant 16 : i32
      %mul3A_202 = arith.muli %scan3A_200, %mul3A_201 : i32
      %add3A_203 = vector.broadcast %mul3A_202 : i32 to vector<16xi32>
      %add3A_204 = arith.addi %iota3A, %add3A_203 : vector<16xi32>
      %gather3A_205 = tpu.vector_load_idx %arg8[%add3A_204, %mul3A_33] : memref<6896x3xf32, #tpu.memory_space<vmem>>[vector<16xi32>, vector<16xi32>], vector<16xf32>,
      %add3A_206 = arith.constant 1 : i32
      %add3A_207 = vector.broadcast %add3A_206 : i32 to vector<16xi32>
      %add3A_208 = arith.addi %mul3A_33, %add3A_207 : vector<16xi32>
      %gather3A_209 = tpu.vector_load_idx %arg8[%add3A_204, %add3A_208] : memref<6896x3xf32, #tpu.memory_space<vmem>>[vector<16xi32>, vector<16xi32>], vector<16xf32>,
      %add3A_210 = arith.addf %gather3A_205, %gather3A_39 : vector<16xf32>
      %mul3A_211 = arith.mulf %gather3A, %add3A_210 : vector<16xf32>
      %mul3A_212 = arith.constant 16 : i32
      %mul3A_213 = arith.muli %scan3A_200, %mul3A_212 : i32
      %swap3A_214 = arith.index_cast %mul3A_213 : i32 to index
      %swap3A_215 = tpu.vector_load %arg10[%swap3A_214] {strides = array<i32>} : memref<6896xf32, #tpu.memory_space<vmem>>, vector<16xf32>,
      tpu.vector_store %arg10[%swap3A_214], %mul3A_211 {strides = array<i32>} : memref<6896xf32, #tpu.memory_space<vmem>>, vector<16xf32>,
      %add3A_216 = arith.addf %gather3A_209, %gather3A_43 : vector<16xf32>
      %mul3A_217 = arith.mulf %gather3A, %add3A_216 : vector<16xf32>
      %mul3A_218 = arith.constant 16 : i32
      %mul3A_219 = arith.muli %scan3A_200, %mul3A_218 : i32
      %swap3A_220 = arith.index_cast %mul3A_219 : i32 to index
      %swap3A_221 = tpu.vector_load %arg11[%swap3A_220] {strides = array<i32>} : memref<6896xf32, #tpu.memory_space<vmem>>, vector<16xf32>,
      tpu.vector_store %arg11[%swap3A_220], %mul3A_217 {strides = array<i32>} : memref<6896xf32, #tpu.memory_space<vmem>>, vector<16xf32>,
    }
    %scan3A_48 = arith.constant 428 : i32
    %scan3A_49 = arith.addi %scan3A_44, %scan3A_48 : i32
    %mul3A_50 = arith.constant 16 : i32
    %mul3A_51 = arith.muli %scan3A_49, %mul3A_50 : i32
    %add3A_52 = vector.broadcast %mul3A_51 : i32 to vector<16xi32>
    %add3A_53 = arith.addi %iota3A, %add3A_52 : vector<16xi32>
    %gather3A_54 = tpu.vector_load_idx %arg8[%add3A_53, %mul3A_33] : memref<6896x3xf32, #tpu.memory_space<vmem>>[vector<16xi32>, vector<16xi32>], vector<16xf32>,
    %add3A_55 = arith.constant 1 : i32
    %add3A_56 = vector.broadcast %add3A_55 : i32 to vector<16xi32>
    %add3A_57 = arith.addi %mul3A_33, %add3A_56 : vector<16xi32>
    %gather3A_58 = tpu.vector_load_idx %arg8[%add3A_53, %add3A_57] : memref<6896x3xf32, #tpu.memory_space<vmem>>[vector<16xi32>, vector<16xi32>], vector<16xf32>,
    %add3A_59 = arith.addf %gather3A_54, %gather3A_39 : vector<16xf32>
    %mul3A_60 = arith.mulf %gather3A, %add3A_59 : vector<16xf32>
    %mul3A_61 = arith.constant 16 : i32
    %mul3A_62 = arith.muli %scan3A_49, %mul3A_61 : i32
    %swap3A = arith.index_cast %mul3A_62 : i32 to index
    %swap3A_63 = tpu.vector_load %arg10[%swap3A] {strides = array<i32>} : memref<6896xf32, #tpu.memory_space<vmem>>, vector<16xf32>,
    tpu.vector_store %arg10[%swap3A], %mul3A_60 {strides = array<i32>} : memref<6896xf32, #tpu.memory_space<vmem>>, vector<16xf32>,
    %add3A_64 = arith.addf %gather3A_58, %gather3A_43 : vector<16xf32>
    %mul3A_65 = arith.mulf %gather3A, %add3A_64 : vector<16xf32>
    %mul3A_66 = arith.constant 16 : i32
    %mul3A_67 = arith.muli %scan3A_49, %mul3A_66 : i32
    %swap3A_68 = arith.index_cast %mul3A_67 : i32 to index
    %swap3A_69 = tpu.vector_load %arg11[%swap3A_68] {strides = array<i32>} : memref<6896xf32, #tpu.memory_space<vmem>>, vector<16xf32>,
    tpu.vector_store %arg11[%swap3A_68], %mul3A_65 {strides = array<i32>} : memref<6896xf32, #tpu.memory_space<vmem>>, vector<16xf32>,
    %scan3A_70 = arith.constant 429 : i32
    %scan3A_71 = arith.addi %scan3A_44, %scan3A_70 : i32
    %mul3A_72 = arith.constant 16 : i32
    %mul3A_73 = arith.muli %scan3A_71, %mul3A_72 : i32
    %add3A_74 = vector.broadcast %mul3A_73 : i32 to vector<16xi32>
    %add3A_75 = arith.addi %iota3A, %add3A_74 : vector<16xi32>
    %gather3A_76 = tpu.vector_load_idx %arg8[%add3A_75, %mul3A_33] : memref<6896x3xf32, #tpu.memory_space<vmem>>[vector<16xi32>, vector<16xi32>], vector<16xf32>,
    %add3A_77 = arith.constant 1 : i32
    %add3A_78 = vector.broadcast %add3A_77 : i32 to vector<16xi32>
    %add3A_79 = arith.addi %mul3A_33, %add3A_78 : vector<16xi32>
    %gather3A_80 = tpu.vector_load_idx %arg8[%add3A_75, %add3A_79] : memref<6896x3xf32, #tpu.memory_space<vmem>>[vector<16xi32>, vector<16xi32>], vector<16xf32>,
    %add3A_81 = arith.addf %gather3A_76, %gather3A_39 : vector<16xf32>
    %mul3A_82 = arith.mulf %gather3A, %add3A_81 : vector<16xf32>
    %mul3A_83 = arith.constant 16 : i32
    %mul3A_84 = arith.muli %scan3A_71, %mul3A_83 : i32
    %swap3A_85 = arith.index_cast %mul3A_84 : i32 to index
    %swap3A_86 = tpu.vector_load %arg10[%swap3A_85] {strides = array<i32>} : memref<6896xf32, #tpu.memory_space<vmem>>, vector<16xf32>,
    tpu.vector_store %arg10[%swap3A_85], %mul3A_82 {strides = array<i32>} : memref<6896xf32, #tpu.memory_space<vmem>>, vector<16xf32>,
    %add3A_87 = arith.addf %gather3A_80, %gather3A_43 : vector<16xf32>
    %mul3A_88 = arith.mulf %gather3A, %add3A_87 : vector<16xf32>
    %mul3A_89 = arith.constant 16 : i32
    %mul3A_90 = arith.muli %scan3A_71, %mul3A_89 : i32
    %swap3A_91 = arith.index_cast %mul3A_90 : i32 to index
    %swap3A_92 = tpu.vector_load %arg11[%swap3A_91] {strides = array<i32>} : memref<6896xf32, #tpu.memory_space<vmem>>, vector<16xf32>,
    tpu.vector_store %arg11[%swap3A_91], %mul3A_88 {strides = array<i32>} : memref<6896xf32, #tpu.memory_space<vmem>>, vector<16xf32>,
    %scan3A_93 = arith.constant 430 : i32
    %scan3A_94 = arith.addi %scan3A_44, %scan3A_93 : i32
    %mul3A_95 = arith.constant 16 : i32
    %mul3A_96 = arith.muli %scan3A_94, %mul3A_95 : i32
    %add3A_97 = vector.broadcast %mul3A_96 : i32 to vector<16xi32>
    %add3A_98 = arith.addi %iota3A, %add3A_97 : vector<16xi32>
    %gather3A_99 = tpu.vector_load_idx %arg8[%add3A_98, %mul3A_33] : memref<6896x3xf32, #tpu.memory_space<vmem>>[vector<16xi32>, vector<16xi32>], vector<16xf32>,
    %add3A_100 = arith.constant 1 : i32
    %add3A_101 = vector.broadcast %add3A_100 : i32 to vector<16xi32>
    %add3A_102 = arith.addi %mul3A_33, %add3A_101 : vector<16xi32>
    %gather3A_103 = tpu.vector_load_idx %arg8[%add3A_98, %add3A_102] : memref<6896x3xf32, #tpu.memory_space<vmem>>[vector<16xi32>, vector<16xi32>], vector<16xf32>,
    %add3A_104 = arith.addf %gather3A_99, %gather3A_39 : vector<16xf32>
    %mul3A_105 = arith.mulf %gather3A, %add3A_104 : vector<16xf32>
    %mul3A_106 = arith.constant 16 : i32
    %mul3A_107 = arith.muli %scan3A_94, %mul3A_106 : i32
    %swap3A_108 = arith.index_cast %mul3A_107 : i32 to index
    %swap3A_109 = tpu.vector_load %arg10[%swap3A_108] {strides = array<i32>} : memref<6896xf32, #tpu.memory_space<vmem>>, vector<16xf32>,
    tpu.vector_store %arg10[%swap3A_108], %mul3A_105 {strides = array<i32>} : memref<6896xf32, #tpu.memory_space<vmem>>, vector<16xf32>,
    %add3A_110 = arith.addf %gather3A_103, %gather3A_43 : vector<16xf32>
    %mul3A_111 = arith.mulf %gather3A, %add3A_110 : vector<16xf32>
    %mul3A_112 = arith.constant 16 : i32
    %mul3A_113 = arith.muli %scan3A_94, %mul3A_112 : i32
    %swap3A_114 = arith.index_cast %mul3A_113 : i32 to index
    %swap3A_115 = tpu.vector_load %arg11[%swap3A_114] {strides = array<i32>} : memref<6896xf32, #tpu.memory_space<vmem>>, vector<16xf32>,
    tpu.vector_store %arg11[%swap3A_114], %mul3A_111 {strides = array<i32>} : memref<6896xf32, #tpu.memory_space<vmem>>, vector<16xf32>,
    %scan3A_116 = arith.constant 431 : i32
    %scan3A_117 = arith.constant 0 : i32
    %scan3A_118 = arith.constant 0 : i32
    %scan3A_119 = arith.constant 7 : i32
    %scan3A_120 = arith.addi %scan3A_118, %scan3A_119 : i32
    %scan3A_121 = arith.constant 1 : i32
    scf.for %scan3A_131 = %scan3A_118 to %scan3A_120 step %scan3A_121  : i32 {
      %mul3A_132 = arith.constant 1968 : i32
      %mul3A_133 = arith.muli %scan3A_131, %mul3A_132 : i32
      "tpu.region"() ({
        %run_scoped3A = tpu.sem_alloc : memref<!tpu.dma_semaphore, #tpu.memory_space<semaphore_mem>>
        %dma_start3A = arith.constant 0 : i32
        %dma_start3A_263 = tpu.memref_slice %arg4[%mul3A_133, %dma_start3A] : memref<13776x3xi32, #tpu.memory_space<hbm>> -> memref<1968x3xi32, #tpu.memory_space<hbm>>
        %dma_start3A_264 = arith.constant 0 : i32
        %dma_start3A_265 = tpu.memref_slice %arg4[%mul3A_133, %dma_start3A_264] : memref<13776x3xi32, #tpu.memory_space<hbm>> -> memref<1968x3xi32, #tpu.memory_space<hbm>>
        tpu.enqueue_dma source(%dma_start3A_265 : memref<1968x3xi32, #tpu.memory_space<hbm>>) target(%arg9 : memref<1968x3xi32, #tpu.memory_space<vmem>>) target_semaphore(%run_scoped3A : memref<!tpu.dma_semaphore, #tpu.memory_space<semaphore_mem>>)
        %dma_wait3A = arith.constant 0 : i32
        %dma_wait3A_266 = tpu.memref_slice %arg4[%mul3A_133, %dma_wait3A] : memref<13776x3xi32, #tpu.memory_space<hbm>> -> memref<1968x3xi32, #tpu.memory_space<hbm>>
        %dma_wait3A_267 = arith.constant 0 : i32
        %dma_wait3A_268 = tpu.memref_slice %arg4[%mul3A_133, %dma_wait3A_267] : memref<13776x3xi32, #tpu.memory_space<hbm>> -> memref<1968x3xi32, #tpu.memory_space<hbm>>
        tpu.wait_dma2 semaphore(%run_scoped3A : memref<!tpu.dma_semaphore, #tpu.memory_space<semaphore_mem>>) src(%dma_wait3A_268 : memref<1968x3xi32, #tpu.memory_space<hbm>>) dst(%arg9 : memref<1968x3xi32, #tpu.memory_space<vmem>>)
        tpu.yield
      }) : () -> ()
      %scan3A_134 = arith.constant 0 : i32
      %scan3A_135 = arith.constant 0 : i32
      %scan3A_136 = arith.constant 120 : i32
      %scan3A_137 = arith.addi %scan3A_135, %scan3A_136 : i32
      %scan3A_138 = arith.constant 4 : i32
      scf.for %scan3A_263 = %scan3A_135 to %scan3A_137 step %scan3A_138  : i32 {
        %mul3A_264 = arith.constant 16 : i32
        %mul3A_265 = arith.muli %scan3A_263, %mul3A_264 : i32
        %add3A_266 = vector.broadcast %mul3A_265 : i32 to vector<16xi32>
        %add3A_267 = arith.addi %iota3A, %add3A_266 : vector<16xi32>
        %gather3A_268 = tpu.vector_load_idx %arg9[%add3A_267, %mul3A_33] : memref<1968x3xi32, #tpu.memory_space<vmem>>[vector<16xi32>, vector<16xi32>], vector<16xi32>,
        %add3A_269 = arith.constant 1 : i32
        %add3A_270 = vector.broadcast %add3A_269 : i32 to vector<16xi32>
        %add3A_271 = arith.addi %mul3A_33, %add3A_270 : vector<16xi32>
        %gather3A_272 = tpu.vector_load_idx %arg9[%add3A_267, %add3A_271] : memref<1968x3xi32, #tpu.memory_space<vmem>>[vector<16xi32>, vector<16xi32>], vector<16xi32>,
        %add3A_273 = arith.constant 2 : i32
        %add3A_274 = vector.broadcast %add3A_273 : i32 to vector<16xi32>
        %add3A_275 = arith.addi %mul3A_33, %add3A_274 : vector<16xi32>
        %gather3A_276 = tpu.vector_load_idx %arg9[%add3A_267, %add3A_275] : memref<1968x3xi32, #tpu.memory_space<vmem>>[vector<16xi32>, vector<16xi32>], vector<16xi32>,
        %gather3A_277 = tpu.vector_load_idx %arg10[%gather3A_268] : memref<6896xf32, #tpu.memory_space<vmem>>[vector<16xi32>], vector<16xf32>,
        %gather3A_278 = tpu.vector_load_idx %arg10[%gather3A_272] : memref<6896xf32, #tpu.memory_space<vmem>>[vector<16xi32>], vector<16xf32>,
        %add3A_279 = arith.addf %gather3A_277, %gather3A_278 : vector<16xf32>
        %gather3A_280 = tpu.vector_load_idx %arg10[%gather3A_276] : memref<6896xf32, #tpu.memory_space<vmem>>[vector<16xi32>], vector<16xf32>,
        %add3A_281 = arith.addf %add3A_279, %gather3A_280 : vector<16xf32>
        %gather3A_282 = tpu.vector_load_idx %arg11[%gather3A_268] : memref<6896xf32, #tpu.memory_space<vmem>>[vector<16xi32>], vector<16xf32>,
        %gather3A_283 = tpu.vector_load_idx %arg11[%gather3A_272] : memref<6896xf32, #tpu.memory_space<vmem>>[vector<16xi32>], vector<16xf32>,
        %add3A_284 = arith.addf %gather3A_282, %gather3A_283 : vector<16xf32>
        %gather3A_285 = tpu.vector_load_idx %arg11[%gather3A_276] : memref<6896xf32, #tpu.memory_space<vmem>>[vector<16xi32>], vector<16xf32>,
        %add3A_286 = arith.addf %add3A_284, %gather3A_285 : vector<16xf32>
        %mul3A_287 = arith.constant 0.333333343 : f32
        %mul3A_288 = vector.broadcast %mul3A_287 : f32 to vector<16xf32>
        %mul3A_289 = arith.mulf %add3A_281, %mul3A_288 : vector<16xf32>
        %mul3A_290 = arith.constant 16 : i32
        %mul3A_291 = arith.muli %scan3A_263, %mul3A_290 : i32
        %add3A_292 = arith.addi %mul3A_133, %mul3A_291 : i32
        %swap3A_293 = arith.index_cast %add3A_292 : i32 to index
        %swap3A_294 = tpu.vector_load %arg12[%swap3A_293] {strides = array<i32>} : memref<13776xf32, #tpu.memory_space<vmem>>, vector<16xf32>,
        tpu.vector_store %arg12[%swap3A_293], %mul3A_289 {strides = array<i32>} : memref<13776xf32, #tpu.memory_space<vmem>>, vector<16xf32>,
        %mul3A_295 = arith.constant 0.333333343 : f32
        %mul3A_296 = vector.broadcast %mul3A_295 : f32 to vector<16xf32>
        %mul3A_297 = arith.mulf %add3A_286, %mul3A_296 : vector<16xf32>
        %mul3A_298 = arith.constant 16 : i32
        %mul3A_299 = arith.muli %scan3A_263, %mul3A_298 : i32
        %add3A_300 = arith.addi %mul3A_133, %mul3A_299 : i32
        %swap3A_301 = arith.index_cast %add3A_300 : i32 to index
        %swap3A_302 = tpu.vector_load %arg13[%swap3A_301] {strides = array<i32>} : memref<13776xf32, #tpu.memory_space<vmem>>, vector<16xf32>,
        tpu.vector_store %arg13[%swap3A_301], %mul3A_297 {strides = array<i32>} : memref<13776xf32, #tpu.memory_space<vmem>>, vector<16xf32>,
        %scan3A_303 = arith.constant 1 : i32
        %scan3A_304 = arith.addi %scan3A_263, %scan3A_303 : i32
        %mul3A_305 = arith.constant 16 : i32
        %mul3A_306 = arith.muli %scan3A_304, %mul3A_305 : i32
        %add3A_307 = vector.broadcast %mul3A_306 : i32 to vector<16xi32>
        %add3A_308 = arith.addi %iota3A, %add3A_307 : vector<16xi32>
        %gather3A_309 = tpu.vector_load_idx %arg9[%add3A_308, %mul3A_33] : memref<1968x3xi32, #tpu.memory_space<vmem>>[vector<16xi32>, vector<16xi32>], vector<16xi32>,
        %add3A_310 = arith.constant 1 : i32
        %add3A_311 = vector.broadcast %add3A_310 : i32 to vector<16xi32>
        %add3A_312 = arith.addi %mul3A_33, %add3A_311 : vector<16xi32>
        %gather3A_313 = tpu.vector_load_idx %arg9[%add3A_308, %add3A_312] : memref<1968x3xi32, #tpu.memory_space<vmem>>[vector<16xi32>, vector<16xi32>], vector<16xi32>,
        %add3A_314 = arith.constant 2 : i32
        %add3A_315 = vector.broadcast %add3A_314 : i32 to vector<16xi32>
        %add3A_316 = arith.addi %mul3A_33, %add3A_315 : vector<16xi32>
        %gather3A_317 = tpu.vector_load_idx %arg9[%add3A_308, %add3A_316] : memref<1968x3xi32, #tpu.memory_space<vmem>>[vector<16xi32>, vector<16xi32>], vector<16xi32>,
        %gather3A_318 = tpu.vector_load_idx %arg10[%gather3A_309] : memref<6896xf32, #tpu.memory_space<vmem>>[vector<16xi32>], vector<16xf32>,
        %gather3A_319 = tpu.vector_load_idx %arg10[%gather3A_313] : memref<6896xf32, #tpu.memory_space<vmem>>[vector<16xi32>], vector<16xf32>,
        %add3A_320 = arith.addf %gather3A_318, %gather3A_319 : vector<16xf32>
        %gather3A_321 = tpu.vector_load_idx %arg10[%gather3A_317] : memref<6896xf32, #tpu.memory_space<vmem>>[vector<16xi32>], vector<16xf32>,
        %add3A_322 = arith.addf %add3A_320, %gather3A_321 : vector<16xf32>
        %gather3A_323 = tpu.vector_load_idx %arg11[%gather3A_309] : memref<6896xf32, #tpu.memory_space<vmem>>[vector<16xi32>], vector<16xf32>,
        %gather3A_324 = tpu.vector_load_idx %arg11[%gather3A_313] : memref<6896xf32, #tpu.memory_space<vmem>>[vector<16xi32>], vector<16xf32>,
        %add3A_325 = arith.addf %gather3A_323, %gather3A_324 : vector<16xf32>
        %gather3A_326 = tpu.vector_load_idx %arg11[%gather3A_317] : memref<6896xf32, #tpu.memory_space<vmem>>[vector<16xi32>], vector<16xf32>,
        %add3A_327 = arith.addf %add3A_325, %gather3A_326 : vector<16xf32>
        %mul3A_328 = arith.constant 0.333333343 : f32
        %mul3A_329 = vector.broadcast %mul3A_328 : f32 to vector<16xf32>
        %mul3A_330 = arith.mulf %add3A_322, %mul3A_329 : vector<16xf32>
        %mul3A_331 = arith.constant 16 : i32
        %mul3A_332 = arith.muli %scan3A_304, %mul3A_331 : i32
        %add3A_333 = arith.addi %mul3A_133, %mul3A_332 : i32
        %swap3A_334 = arith.index_cast %add3A_333 : i32 to index
        %swap3A_335 = tpu.vector_load %arg12[%swap3A_334] {strides = array<i32>} : memref<13776xf32, #tpu.memory_space<vmem>>, vector<16xf32>,
        tpu.vector_store %arg12[%swap3A_334], %mul3A_330 {strides = array<i32>} : memref<13776xf32, #tpu.memory_space<vmem>>, vector<16xf32>,
        %mul3A_336 = arith.constant 0.333333343 : f32
        %mul3A_337 = vector.broadcast %mul3A_336 : f32 to vector<16xf32>
        %mul3A_338 = arith.mulf %add3A_327, %mul3A_337 : vector<16xf32>
        %mul3A_339 = arith.constant 16 : i32
        %mul3A_340 = arith.muli %scan3A_304, %mul3A_339 : i32
        %add3A_341 = arith.addi %mul3A_133, %mul3A_340 : i32
        %swap3A_342 = arith.index_cast %add3A_341 : i32 to index
        %swap3A_343 = tpu.vector_load %arg13[%swap3A_342] {strides = array<i32>} : memref<13776xf32, #tpu.memory_space<vmem>>, vector<16xf32>,
        tpu.vector_store %arg13[%swap3A_342], %mul3A_338 {strides = array<i32>} : memref<13776xf32, #tpu.memory_space<vmem>>, vector<16xf32>,
        %scan3A_344 = arith.constant 2 : i32
        %scan3A_345 = arith.addi %scan3A_263, %scan3A_344 : i32
        %mul3A_346 = arith.constant 16 : i32
        %mul3A_347 = arith.muli %scan3A_345, %mul3A_346 : i32
        %add3A_348 = vector.broadcast %mul3A_347 : i32 to vector<16xi32>
        %add3A_349 = arith.addi %iota3A, %add3A_348 : vector<16xi32>
        %gather3A_350 = tpu.vector_load_idx %arg9[%add3A_349, %mul3A_33] : memref<1968x3xi32, #tpu.memory_space<vmem>>[vector<16xi32>, vector<16xi32>], vector<16xi32>,
        %add3A_351 = arith.constant 1 : i32
        %add3A_352 = vector.broadcast %add3A_351 : i32 to vector<16xi32>
        %add3A_353 = arith.addi %mul3A_33, %add3A_352 : vector<16xi32>
        %gather3A_354 = tpu.vector_load_idx %arg9[%add3A_349, %add3A_353] : memref<1968x3xi32, #tpu.memory_space<vmem>>[vector<16xi32>, vector<16xi32>], vector<16xi32>,
        %add3A_355 = arith.constant 2 : i32
        %add3A_356 = vector.broadcast %add3A_355 : i32 to vector<16xi32>
        %add3A_357 = arith.addi %mul3A_33, %add3A_356 : vector<16xi32>
        %gather3A_358 = tpu.vector_load_idx %arg9[%add3A_349, %add3A_357] : memref<1968x3xi32, #tpu.memory_space<vmem>>[vector<16xi32>, vector<16xi32>], vector<16xi32>,
        %gather3A_359 = tpu.vector_load_idx %arg10[%gather3A_350] : memref<6896xf32, #tpu.memory_space<vmem>>[vector<16xi32>], vector<16xf32>,
        %gather3A_360 = tpu.vector_load_idx %arg10[%gather3A_354] : memref<6896xf32, #tpu.memory_space<vmem>>[vector<16xi32>], vector<16xf32>,
        %add3A_361 = arith.addf %gather3A_359, %gather3A_360 : vector<16xf32>
        %gather3A_362 = tpu.vector_load_idx %arg10[%gather3A_358] : memref<6896xf32, #tpu.memory_space<vmem>>[vector<16xi32>], vector<16xf32>,
        %add3A_363 = arith.addf %add3A_361, %gather3A_362 : vector<16xf32>
        %gather3A_364 = tpu.vector_load_idx %arg11[%gather3A_350] : memref<6896xf32, #tpu.memory_space<vmem>>[vector<16xi32>], vector<16xf32>,
        %gather3A_365 = tpu.vector_load_idx %arg11[%gather3A_354] : memref<6896xf32, #tpu.memory_space<vmem>>[vector<16xi32>], vector<16xf32>,
        %add3A_366 = arith.addf %gather3A_364, %gather3A_365 : vector<16xf32>
        %gather3A_367 = tpu.vector_load_idx %arg11[%gather3A_358] : memref<6896xf32, #tpu.memory_space<vmem>>[vector<16xi32>], vector<16xf32>,
        %add3A_368 = arith.addf %add3A_366, %gather3A_367 : vector<16xf32>
        %mul3A_369 = arith.constant 0.333333343 : f32
        %mul3A_370 = vector.broadcast %mul3A_369 : f32 to vector<16xf32>
        %mul3A_371 = arith.mulf %add3A_363, %mul3A_370 : vector<16xf32>
        %mul3A_372 = arith.constant 16 : i32
        %mul3A_373 = arith.muli %scan3A_345, %mul3A_372 : i32
        %add3A_374 = arith.addi %mul3A_133, %mul3A_373 : i32
        %swap3A_375 = arith.index_cast %add3A_374 : i32 to index
        %swap3A_376 = tpu.vector_load %arg12[%swap3A_375] {strides = array<i32>} : memref<13776xf32, #tpu.memory_space<vmem>>, vector<16xf32>,
        tpu.vector_store %arg12[%swap3A_375], %mul3A_371 {strides = array<i32>} : memref<13776xf32, #tpu.memory_space<vmem>>, vector<16xf32>,
        %mul3A_377 = arith.constant 0.333333343 : f32
        %mul3A_378 = vector.broadcast %mul3A_377 : f32 to vector<16xf32>
        %mul3A_379 = arith.mulf %add3A_368, %mul3A_378 : vector<16xf32>
        %mul3A_380 = arith.constant 16 : i32
        %mul3A_381 = arith.muli %scan3A_345, %mul3A_380 : i32
        %add3A_382 = arith.addi %mul3A_133, %mul3A_381 : i32
        %swap3A_383 = arith.index_cast %add3A_382 : i32 to index
        %swap3A_384 = tpu.vector_load %arg13[%swap3A_383] {strides = array<i32>} : memref<13776xf32, #tpu.memory_space<vmem>>, vector<16xf32>,
        tpu.vector_store %arg13[%swap3A_383], %mul3A_379 {strides = array<i32>} : memref<13776xf32, #tpu.memory_space<vmem>>, vector<16xf32>,
        %scan3A_385 = arith.constant 3 : i32
        %scan3A_386 = arith.addi %scan3A_263, %scan3A_385 : i32
        %mul3A_387 = arith.constant 16 : i32
        %mul3A_388 = arith.muli %scan3A_386, %mul3A_387 : i32
        %add3A_389 = vector.broadcast %mul3A_388 : i32 to vector<16xi32>
        %add3A_390 = arith.addi %iota3A, %add3A_389 : vector<16xi32>
        %gather3A_391 = tpu.vector_load_idx %arg9[%add3A_390, %mul3A_33] : memref<1968x3xi32, #tpu.memory_space<vmem>>[vector<16xi32>, vector<16xi32>], vector<16xi32>,
        %add3A_392 = arith.constant 1 : i32
        %add3A_393 = vector.broadcast %add3A_392 : i32 to vector<16xi32>
        %add3A_394 = arith.addi %mul3A_33, %add3A_393 : vector<16xi32>
        %gather3A_395 = tpu.vector_load_idx %arg9[%add3A_390, %add3A_394] : memref<1968x3xi32, #tpu.memory_space<vmem>>[vector<16xi32>, vector<16xi32>], vector<16xi32>,
        %add3A_396 = arith.constant 2 : i32
        %add3A_397 = vector.broadcast %add3A_396 : i32 to vector<16xi32>
        %add3A_398 = arith.addi %mul3A_33, %add3A_397 : vector<16xi32>
        %gather3A_399 = tpu.vector_load_idx %arg9[%add3A_390, %add3A_398] : memref<1968x3xi32, #tpu.memory_space<vmem>>[vector<16xi32>, vector<16xi32>], vector<16xi32>,
        %gather3A_400 = tpu.vector_load_idx %arg10[%gather3A_391] : memref<6896xf32, #tpu.memory_space<vmem>>[vector<16xi32>], vector<16xf32>,
        %gather3A_401 = tpu.vector_load_idx %arg10[%gather3A_395] : memref<6896xf32, #tpu.memory_space<vmem>>[vector<16xi32>], vector<16xf32>,
        %add3A_402 = arith.addf %gather3A_400, %gather3A_401 : vector<16xf32>
        %gather3A_403 = tpu.vector_load_idx %arg10[%gather3A_399] : memref<6896xf32, #tpu.memory_space<vmem>>[vector<16xi32>], vector<16xf32>,
        %add3A_404 = arith.addf %add3A_402, %gather3A_403 : vector<16xf32>
        %gather3A_405 = tpu.vector_load_idx %arg11[%gather3A_391] : memref<6896xf32, #tpu.memory_space<vmem>>[vector<16xi32>], vector<16xf32>,
        %gather3A_406 = tpu.vector_load_idx %arg11[%gather3A_395] : memref<6896xf32, #tpu.memory_space<vmem>>[vector<16xi32>], vector<16xf32>,
        %add3A_407 = arith.addf %gather3A_405, %gather3A_406 : vector<16xf32>
        %gather3A_408 = tpu.vector_load_idx %arg11[%gather3A_399] : memref<6896xf32, #tpu.memory_space<vmem>>[vector<16xi32>], vector<16xf32>,
        %add3A_409 = arith.addf %add3A_407, %gather3A_408 : vector<16xf32>
        %mul3A_410 = arith.constant 0.333333343 : f32
        %mul3A_411 = vector.broadcast %mul3A_410 : f32 to vector<16xf32>
        %mul3A_412 = arith.mulf %add3A_404, %mul3A_411 : vector<16xf32>
        %mul3A_413 = arith.constant 16 : i32
        %mul3A_414 = arith.muli %scan3A_386, %mul3A_413 : i32
        %add3A_415 = arith.addi %mul3A_133, %mul3A_414 : i32
        %swap3A_416 = arith.index_cast %add3A_415 : i32 to index
        %swap3A_417 = tpu.vector_load %arg12[%swap3A_416] {strides = array<i32>} : memref<13776xf32, #tpu.memory_space<vmem>>, vector<16xf32>,
        tpu.vector_store %arg12[%swap3A_416], %mul3A_412 {strides = array<i32>} : memref<13776xf32, #tpu.memory_space<vmem>>, vector<16xf32>,
        %mul3A_418 = arith.constant 0.333333343 : f32
        %mul3A_419 = vector.broadcast %mul3A_418 : f32 to vector<16xf32>
        %mul3A_420 = arith.mulf %add3A_409, %mul3A_419 : vector<16xf32>
        %mul3A_421 = arith.constant 16 : i32
        %mul3A_422 = arith.muli %scan3A_386, %mul3A_421 : i32
        %add3A_423 = arith.addi %mul3A_133, %mul3A_422 : i32
        %swap3A_424 = arith.index_cast %add3A_423 : i32 to index
        %swap3A_425 = tpu.vector_load %arg13[%swap3A_424] {strides = array<i32>} : memref<13776xf32, #tpu.memory_space<vmem>>, vector<16xf32>,
        tpu.vector_store %arg13[%swap3A_424], %mul3A_420 {strides = array<i32>} : memref<13776xf32, #tpu.memory_space<vmem>>, vector<16xf32>,
      }
      %scan3A_139 = arith.constant 120 : i32
      %scan3A_140 = arith.addi %scan3A_135, %scan3A_139 : i32
      %mul3A_141 = arith.constant 16 : i32
      %mul3A_142 = arith.muli %scan3A_140, %mul3A_141 : i32
      %add3A_143 = vector.broadcast %mul3A_142 : i32 to vector<16xi32>
      %add3A_144 = arith.addi %iota3A, %add3A_143 : vector<16xi32>
      %gather3A_145 = tpu.vector_load_idx %arg9[%add3A_144, %mul3A_33] : memref<1968x3xi32, #tpu.memory_space<vmem>>[vector<16xi32>, vector<16xi32>], vector<16xi32>,
      %add3A_146 = arith.constant 1 : i32
      %add3A_147 = vector.broadcast %add3A_146 : i32 to vector<16xi32>
      %add3A_148 = arith.addi %mul3A_33, %add3A_147 : vector<16xi32>
      %gather3A_149 = tpu.vector_load_idx %arg9[%add3A_144, %add3A_148] : memref<1968x3xi32, #tpu.memory_space<vmem>>[vector<16xi32>, vector<16xi32>], vector<16xi32>,
      %add3A_150 = arith.constant 2 : i32
      %add3A_151 = vector.broadcast %add3A_150 : i32 to vector<16xi32>
      %add3A_152 = arith.addi %mul3A_33, %add3A_151 : vector<16xi32>
      %gather3A_153 = tpu.vector_load_idx %arg9[%add3A_144, %add3A_152] : memref<1968x3xi32, #tpu.memory_space<vmem>>[vector<16xi32>, vector<16xi32>], vector<16xi32>,
      %gather3A_154 = tpu.vector_load_idx %arg10[%gather3A_145] : memref<6896xf32, #tpu.memory_space<vmem>>[vector<16xi32>], vector<16xf32>,
      %gather3A_155 = tpu.vector_load_idx %arg10[%gather3A_149] : memref<6896xf32, #tpu.memory_space<vmem>>[vector<16xi32>], vector<16xf32>,
      %add3A_156 = arith.addf %gather3A_154, %gather3A_155 : vector<16xf32>
      %gather3A_157 = tpu.vector_load_idx %arg10[%gather3A_153] : memref<6896xf32, #tpu.memory_space<vmem>>[vector<16xi32>], vector<16xf32>,
      %add3A_158 = arith.addf %add3A_156, %gather3A_157 : vector<16xf32>
      %gather3A_159 = tpu.vector_load_idx %arg11[%gather3A_145] : memref<6896xf32, #tpu.memory_space<vmem>>[vector<16xi32>], vector<16xf32>,
      %gather3A_160 = tpu.vector_load_idx %arg11[%gather3A_149] : memref<6896xf32, #tpu.memory_space<vmem>>[vector<16xi32>], vector<16xf32>,
      %add3A_161 = arith.addf %gather3A_159, %gather3A_160 : vector<16xf32>
      %gather3A_162 = tpu.vector_load_idx %arg11[%gather3A_153] : memref<6896xf32, #tpu.memory_space<vmem>>[vector<16xi32>], vector<16xf32>,
      %add3A_163 = arith.addf %add3A_161, %gather3A_162 : vector<16xf32>
      %mul3A_164 = arith.constant 0.333333343 : f32
      %mul3A_165 = vector.broadcast %mul3A_164 : f32 to vector<16xf32>
      %mul3A_166 = arith.mulf %add3A_158, %mul3A_165 : vector<16xf32>
      %mul3A_167 = arith.constant 16 : i32
      %mul3A_168 = arith.muli %scan3A_140, %mul3A_167 : i32
      %add3A_169 = arith.addi %mul3A_133, %mul3A_168 : i32
      %swap3A_170 = arith.index_cast %add3A_169 : i32 to index
      %swap3A_171 = tpu.vector_load %arg12[%swap3A_170] {strides = array<i32>} : memref<13776xf32, #tpu.memory_space<vmem>>, vector<16xf32>,
      tpu.vector_store %arg12[%swap3A_170], %mul3A_166 {strides = array<i32>} : memref<13776xf32, #tpu.memory_space<vmem>>, vector<16xf32>,
      %mul3A_172 = arith.constant 0.333333343 : f32
      %mul3A_173 = vector.broadcast %mul3A_172 : f32 to vector<16xf32>
      %mul3A_174 = arith.mulf %add3A_163, %mul3A_173 : vector<16xf32>
      %mul3A_175 = arith.constant 16 : i32
      %mul3A_176 = arith.muli %scan3A_140, %mul3A_175 : i32
      %add3A_177 = arith.addi %mul3A_133, %mul3A_176 : i32
      %swap3A_178 = arith.index_cast %add3A_177 : i32 to index
      %swap3A_179 = tpu.vector_load %arg13[%swap3A_178] {strides = array<i32>} : memref<13776xf32, #tpu.memory_space<vmem>>, vector<16xf32>,
      tpu.vector_store %arg13[%swap3A_178], %mul3A_174 {strides = array<i32>} : memref<13776xf32, #tpu.memory_space<vmem>>, vector<16xf32>,
      %scan3A_180 = arith.constant 121 : i32
      %scan3A_181 = arith.addi %scan3A_135, %scan3A_180 : i32
      %mul3A_182 = arith.constant 16 : i32
      %mul3A_183 = arith.muli %scan3A_181, %mul3A_182 : i32
      %add3A_184 = vector.broadcast %mul3A_183 : i32 to vector<16xi32>
      %add3A_185 = arith.addi %iota3A, %add3A_184 : vector<16xi32>
      %gather3A_186 = tpu.vector_load_idx %arg9[%add3A_185, %mul3A_33] : memref<1968x3xi32, #tpu.memory_space<vmem>>[vector<16xi32>, vector<16xi32>], vector<16xi32>,
      %add3A_187 = arith.constant 1 : i32
      %add3A_188 = vector.broadcast %add3A_187 : i32 to vector<16xi32>
      %add3A_189 = arith.addi %mul3A_33, %add3A_188 : vector<16xi32>
      %gather3A_190 = tpu.vector_load_idx %arg9[%add3A_185, %add3A_189] : memref<1968x3xi32, #tpu.memory_space<vmem>>[vector<16xi32>, vector<16xi32>], vector<16xi32>,
      %add3A_191 = arith.constant 2 : i32
      %add3A_192 = vector.broadcast %add3A_191 : i32 to vector<16xi32>
      %add3A_193 = arith.addi %mul3A_33, %add3A_192 : vector<16xi32>
      %gather3A_194 = tpu.vector_load_idx %arg9[%add3A_185, %add3A_193] : memref<1968x3xi32, #tpu.memory_space<vmem>>[vector<16xi32>, vector<16xi32>], vector<16xi32>,
      %gather3A_195 = tpu.vector_load_idx %arg10[%gather3A_186] : memref<6896xf32, #tpu.memory_space<vmem>>[vector<16xi32>], vector<16xf32>,
      %gather3A_196 = tpu.vector_load_idx %arg10[%gather3A_190] : memref<6896xf32, #tpu.memory_space<vmem>>[vector<16xi32>], vector<16xf32>,
      %add3A_197 = arith.addf %gather3A_195, %gather3A_196 : vector<16xf32>
      %gather3A_198 = tpu.vector_load_idx %arg10[%gather3A_194] : memref<6896xf32, #tpu.memory_space<vmem>>[vector<16xi32>], vector<16xf32>,
      %add3A_199 = arith.addf %add3A_197, %gather3A_198 : vector<16xf32>
      %gather3A_200 = tpu.vector_load_idx %arg11[%gather3A_186] : memref<6896xf32, #tpu.memory_space<vmem>>[vector<16xi32>], vector<16xf32>,
      %gather3A_201 = tpu.vector_load_idx %arg11[%gather3A_190] : memref<6896xf32, #tpu.memory_space<vmem>>[vector<16xi32>], vector<16xf32>,
      %add3A_202 = arith.addf %gather3A_200, %gather3A_201 : vector<16xf32>
      %gather3A_203 = tpu.vector_load_idx %arg11[%gather3A_194] : memref<6896xf32, #tpu.memory_space<vmem>>[vector<16xi32>], vector<16xf32>,
      %add3A_204 = arith.addf %add3A_202, %gather3A_203 : vector<16xf32>
      %mul3A_205 = arith.constant 0.333333343 : f32
      %mul3A_206 = vector.broadcast %mul3A_205 : f32 to vector<16xf32>
      %mul3A_207 = arith.mulf %add3A_199, %mul3A_206 : vector<16xf32>
      %mul3A_208 = arith.constant 16 : i32
      %mul3A_209 = arith.muli %scan3A_181, %mul3A_208 : i32
      %add3A_210 = arith.addi %mul3A_133, %mul3A_209 : i32
      %swap3A_211 = arith.index_cast %add3A_210 : i32 to index
      %swap3A_212 = tpu.vector_load %arg12[%swap3A_211] {strides = array<i32>} : memref<13776xf32, #tpu.memory_space<vmem>>, vector<16xf32>,
      tpu.vector_store %arg12[%swap3A_211], %mul3A_207 {strides = array<i32>} : memref<13776xf32, #tpu.memory_space<vmem>>, vector<16xf32>,
      %mul3A_213 = arith.constant 0.333333343 : f32
      %mul3A_214 = vector.broadcast %mul3A_213 : f32 to vector<16xf32>
      %mul3A_215 = arith.mulf %add3A_204, %mul3A_214 : vector<16xf32>
      %mul3A_216 = arith.constant 16 : i32
      %mul3A_217 = arith.muli %scan3A_181, %mul3A_216 : i32
      %add3A_218 = arith.addi %mul3A_133, %mul3A_217 : i32
      %swap3A_219 = arith.index_cast %add3A_218 : i32 to index
      %swap3A_220 = tpu.vector_load %arg13[%swap3A_219] {strides = array<i32>} : memref<13776xf32, #tpu.memory_space<vmem>>, vector<16xf32>,
      tpu.vector_store %arg13[%swap3A_219], %mul3A_215 {strides = array<i32>} : memref<13776xf32, #tpu.memory_space<vmem>>, vector<16xf32>,
      %scan3A_221 = arith.constant 122 : i32
      %scan3A_222 = arith.addi %scan3A_135, %scan3A_221 : i32
      %mul3A_223 = arith.constant 16 : i32
      %mul3A_224 = arith.muli %scan3A_222, %mul3A_223 : i32
      %add3A_225 = vector.broadcast %mul3A_224 : i32 to vector<16xi32>
      %add3A_226 = arith.addi %iota3A, %add3A_225 : vector<16xi32>
      %gather3A_227 = tpu.vector_load_idx %arg9[%add3A_226, %mul3A_33] : memref<1968x3xi32, #tpu.memory_space<vmem>>[vector<16xi32>, vector<16xi32>], vector<16xi32>,
      %add3A_228 = arith.constant 1 : i32
      %add3A_229 = vector.broadcast %add3A_228 : i32 to vector<16xi32>
      %add3A_230 = arith.addi %mul3A_33, %add3A_229 : vector<16xi32>
      %gather3A_231 = tpu.vector_load_idx %arg9[%add3A_226, %add3A_230] : memref<1968x3xi32, #tpu.memory_space<vmem>>[vector<16xi32>, vector<16xi32>], vector<16xi32>,
      %add3A_232 = arith.constant 2 : i32
      %add3A_233 = vector.broadcast %add3A_232 : i32 to vector<16xi32>
      %add3A_234 = arith.addi %mul3A_33, %add3A_233 : vector<16xi32>
      %gather3A_235 = tpu.vector_load_idx %arg9[%add3A_226, %add3A_234] : memref<1968x3xi32, #tpu.memory_space<vmem>>[vector<16xi32>, vector<16xi32>], vector<16xi32>,
      %gather3A_236 = tpu.vector_load_idx %arg10[%gather3A_227] : memref<6896xf32, #tpu.memory_space<vmem>>[vector<16xi32>], vector<16xf32>,
      %gather3A_237 = tpu.vector_load_idx %arg10[%gather3A_231] : memref<6896xf32, #tpu.memory_space<vmem>>[vector<16xi32>], vector<16xf32>,
      %add3A_238 = arith.addf %gather3A_236, %gather3A_237 : vector<16xf32>
      %gather3A_239 = tpu.vector_load_idx %arg10[%gather3A_235] : memref<6896xf32, #tpu.memory_space<vmem>>[vector<16xi32>], vector<16xf32>,
      %add3A_240 = arith.addf %add3A_238, %gather3A_239 : vector<16xf32>
      %gather3A_241 = tpu.vector_load_idx %arg11[%gather3A_227] : memref<6896xf32, #tpu.memory_space<vmem>>[vector<16xi32>], vector<16xf32>,
      %gather3A_242 = tpu.vector_load_idx %arg11[%gather3A_231] : memref<6896xf32, #tpu.memory_space<vmem>>[vector<16xi32>], vector<16xf32>,
      %add3A_243 = arith.addf %gather3A_241, %gather3A_242 : vector<16xf32>
      %gather3A_244 = tpu.vector_load_idx %arg11[%gather3A_235] : memref<6896xf32, #tpu.memory_space<vmem>>[vector<16xi32>], vector<16xf32>,
      %add3A_245 = arith.addf %add3A_243, %gather3A_244 : vector<16xf32>
      %mul3A_246 = arith.constant 0.333333343 : f32
      %mul3A_247 = vector.broadcast %mul3A_246 : f32 to vector<16xf32>
      %mul3A_248 = arith.mulf %add3A_240, %mul3A_247 : vector<16xf32>
      %mul3A_249 = arith.constant 16 : i32
      %mul3A_250 = arith.muli %scan3A_222, %mul3A_249 : i32
      %add3A_251 = arith.addi %mul3A_133, %mul3A_250 : i32
      %swap3A_252 = arith.index_cast %add3A_251 : i32 to index
      %swap3A_253 = tpu.vector_load %arg12[%swap3A_252] {strides = array<i32>} : memref<13776xf32, #tpu.memory_space<vmem>>, vector<16xf32>,
      tpu.vector_store %arg12[%swap3A_252], %mul3A_248 {strides = array<i32>} : memref<13776xf32, #tpu.memory_space<vmem>>, vector<16xf32>,
      %mul3A_254 = arith.constant 0.333333343 : f32
      %mul3A_255 = vector.broadcast %mul3A_254 : f32 to vector<16xf32>
      %mul3A_256 = arith.mulf %add3A_245, %mul3A_255 : vector<16xf32>
      %mul3A_257 = arith.constant 16 : i32
      %mul3A_258 = arith.muli %scan3A_222, %mul3A_257 : i32
      %add3A_259 = arith.addi %mul3A_133, %mul3A_258 : i32
      %swap3A_260 = arith.index_cast %add3A_259 : i32 to index
      %swap3A_261 = tpu.vector_load %arg13[%swap3A_260] {strides = array<i32>} : memref<13776xf32, #tpu.memory_space<vmem>>, vector<16xf32>,
      tpu.vector_store %arg13[%swap3A_260], %mul3A_256 {strides = array<i32>} : memref<13776xf32, #tpu.memory_space<vmem>>, vector<16xf32>,
      %scan3A_262 = arith.constant 123 : i32
    }
    %scan3A_122 = arith.constant 7 : i32
    %mul3A_123 = arith.constant 64 : i32
    %mul3A_124 = arith.muli %select_n3A_30, %mul3A_123 : i32
    %scan3A_125 = arith.constant 0 : i32
    %scan3A_126 = arith.constant 0 : i32
    %scan3A_127 = arith.constant 8 : i32
    %scan3A_128 = arith.addi %scan3A_126, %scan3A_127 : i32
    %scan3A_129 = arith.constant 1 : i32
    scf.for %scan3A_131 = %scan3A_126 to %scan3A_128 step %scan3A_129  : i32 {
      %mul3A_132 = arith.constant 8 : i32
      %mul3A_133 = arith.muli %scan3A_131, %mul3A_132 : i32
      %add3A_134 = arith.addi %mul3A_124, %mul3A_133 : i32
      "tpu.region"() ({
        %run_scoped3A = tpu.sem_alloc : memref<!tpu.dma_semaphore, #tpu.memory_space<semaphore_mem>>
        %dma_start3A = arith.constant 0 : i32
        %dma_start3A_141 = tpu.memref_slice %arg5[%select_n3A, %add3A_134, %dma_start3A] : memref<8x256x256xi32, #tpu.memory_space<hbm>> -> memref<1x8x256xi32, #tpu.memory_space<hbm>>
        %dma_start3A_142 = tpu.memref_squeeze %dma_start3A_141 : memref<1x8x256xi32, #tpu.memory_space<hbm>> -> memref<8x256xi32, #tpu.memory_space<hbm>>
        %dma_start3A_143 = arith.constant 0 : i32
        %dma_start3A_144 = tpu.memref_slice %arg5[%select_n3A, %add3A_134, %dma_start3A_143] : memref<8x256x256xi32, #tpu.memory_space<hbm>> -> memref<1x8x256xi32, #tpu.memory_space<hbm>>
        %dma_start3A_145 = tpu.memref_squeeze %dma_start3A_144 : memref<1x8x256xi32, #tpu.memory_space<hbm>> -> memref<8x256xi32, #tpu.memory_space<hbm>>
        tpu.enqueue_dma source(%dma_start3A_145 : memref<8x256xi32, #tpu.memory_space<hbm>>) target(%arg14 : memref<8x256xi32, #tpu.memory_space<vmem>>) target_semaphore(%run_scoped3A : memref<!tpu.dma_semaphore, #tpu.memory_space<semaphore_mem>>)
        %dma_wait3A = arith.constant 0 : i32
        %dma_wait3A_146 = tpu.memref_slice %arg5[%select_n3A, %add3A_134, %dma_wait3A] : memref<8x256x256xi32, #tpu.memory_space<hbm>> -> memref<1x8x256xi32, #tpu.memory_space<hbm>>
        %dma_wait3A_147 = tpu.memref_squeeze %dma_wait3A_146 : memref<1x8x256xi32, #tpu.memory_space<hbm>> -> memref<8x256xi32, #tpu.memory_space<hbm>>
        %dma_wait3A_148 = arith.constant 0 : i32
        %dma_wait3A_149 = tpu.memref_slice %arg5[%select_n3A, %add3A_134, %dma_wait3A_148] : memref<8x256x256xi32, #tpu.memory_space<hbm>> -> memref<1x8x256xi32, #tpu.memory_space<hbm>>
        %dma_wait3A_150 = tpu.memref_squeeze %dma_wait3A_149 : memref<1x8x256xi32, #tpu.memory_space<hbm>> -> memref<8x256xi32, #tpu.memory_space<hbm>>
        tpu.wait_dma2 semaphore(%run_scoped3A : memref<!tpu.dma_semaphore, #tpu.memory_space<semaphore_mem>>) src(%dma_wait3A_150 : memref<8x256xi32, #tpu.memory_space<hbm>>) dst(%arg14 : memref<8x256xi32, #tpu.memory_space<vmem>>)
        tpu.yield
      }) : () -> ()
      %scan3A_135 = arith.constant 0 : i32
      %scan3A_136 = arith.constant 0 : i32
      %scan3A_137 = arith.constant 8 : i32
      %scan3A_138 = arith.addi %scan3A_136, %scan3A_137 : i32
      %scan3A_139 = arith.constant 1 : i32
      scf.for %scan3A_141 = %scan3A_136 to %scan3A_138 step %scan3A_139  : i32 {
        %add3A_142 = vector.broadcast %scan3A_141 : i32 to vector<16xi32>
        %add3A_143 = arith.addi %mul3A_33, %add3A_142 : vector<16xi32>
        %scan3A_144 = arith.constant 0 : i32
        %scan3A_145 = arith.constant 16 : i32
        %scan3A_146 = arith.addi %scan3A_144, %scan3A_145 : i32
        %scan3A_147 = arith.constant 4 : i32
        scf.for %scan3A_149 = %scan3A_144 to %scan3A_146 step %scan3A_147  : i32 {
          %mul3A_150 = arith.constant 16 : i32
          %mul3A_151 = arith.muli %scan3A_149, %mul3A_150 : i32
          %get3A = arith.index_cast %scan3A_141 : i32 to index
          %get3A_152 = arith.index_cast %mul3A_151 : i32 to index
          %get3A_153 = tpu.vector_load %arg14[%get3A, %get3A_152] {strides = array<i32>} : memref<8x256xi32, #tpu.memory_space<vmem>>, vector<16xi32>,
          %ge3A = arith.constant 0 : i32
          %ge3A_154 = vector.broadcast %ge3A : i32 to vector<16xi32>
          %ge3A_155 = arith.cmpi sge, %get3A_153, %ge3A_154 : vector<16xi32>
          %max3A = arith.constant 0 : i32
          %max3A_156 = vector.broadcast %max3A : i32 to vector<16xi32>
          %max3A_157 = arith.maxsi %get3A_153, %max3A_156 : vector<16xi32>
          %min3A = arith.constant 13775 : i32
          %min3A_158 = vector.broadcast %min3A : i32 to vector<16xi32>
          %min3A_159 = arith.minsi %max3A_157, %min3A_158 : vector<16xi32>
          %gather3A_160 = tpu.vector_load_idx %arg12[%min3A_159] : memref<13776xf32, #tpu.memory_space<vmem>>[vector<16xi32>], vector<16xf32>,
          %gather3A_161 = tpu.vector_load_idx %arg13[%min3A_159] : memref<13776xf32, #tpu.memory_space<vmem>>[vector<16xi32>], vector<16xf32>,
          %jit3A_162 = arith.constant -1.000000e+00 : f32
          %broadcast_in_dim3A = vector.broadcast %jit3A_162 : f32 to vector<16xf32>
          %select_n3A_163 = arith.select %ge3A_155, %gather3A_160, %broadcast_in_dim3A : vector<16xi1>, vector<16xf32>
          %jit3A_164 = arith.constant -1.000000e+00 : f32
          %broadcast_in_dim3A_165 = vector.broadcast %jit3A_164 : f32 to vector<16xf32>
          %select_n3A_166 = arith.select %ge3A_155, %gather3A_161, %broadcast_in_dim3A_165 : vector<16xi1>, vector<16xf32>
          %mul3A_167 = arith.constant 2 : i32
          %mul3A_168 = vector.broadcast %mul3A_167 : i32 to vector<16xi32>
          %mul3A_169 = arith.muli %iota3A, %mul3A_168 : vector<16xi32>
          %mul3A_170 = arith.constant 32 : i32
          %mul3A_171 = arith.muli %scan3A_149, %mul3A_170 : i32
          %add3A_172 = vector.broadcast %mul3A_171 : i32 to vector<16xi32>
          %add3A_173 = arith.addi %mul3A_169, %add3A_172 : vector<16xi32>
          tpu.vector_store_idx %arg15[%add3A_143, %add3A_173], %select_n3A_163 : memref<8x512xf32, #tpu.memory_space<vmem>>[vector<16xi32>, vector<16xi32>], vector<16xf32>,
          %add3A_174 = arith.constant 1 : i32
          %add3A_175 = vector.broadcast %add3A_174 : i32 to vector<16xi32>
          %add3A_176 = arith.addi %add3A_173, %add3A_175 : vector<16xi32>
          tpu.vector_store_idx %arg15[%add3A_143, %add3A_176], %select_n3A_166 : memref<8x512xf32, #tpu.memory_space<vmem>>[vector<16xi32>, vector<16xi32>], vector<16xf32>,
          %scan3A_177 = arith.constant 1 : i32
          %scan3A_178 = arith.addi %scan3A_149, %scan3A_177 : i32
          %mul3A_179 = arith.constant 16 : i32
          %mul3A_180 = arith.muli %scan3A_178, %mul3A_179 : i32
          %get3A_181 = arith.index_cast %scan3A_141 : i32 to index
          %get3A_182 = arith.index_cast %mul3A_180 : i32 to index
          %get3A_183 = tpu.vector_load %arg14[%get3A_181, %get3A_182] {strides = array<i32>} : memref<8x256xi32, #tpu.memory_space<vmem>>, vector<16xi32>,
          %ge3A_184 = arith.constant 0 : i32
          %ge3A_185 = vector.broadcast %ge3A_184 : i32 to vector<16xi32>
          %ge3A_186 = arith.cmpi sge, %get3A_183, %ge3A_185 : vector<16xi32>
          %max3A_187 = arith.constant 0 : i32
          %max3A_188 = vector.broadcast %max3A_187 : i32 to vector<16xi32>
          %max3A_189 = arith.maxsi %get3A_183, %max3A_188 : vector<16xi32>
          %min3A_190 = arith.constant 13775 : i32
          %min3A_191 = vector.broadcast %min3A_190 : i32 to vector<16xi32>
          %min3A_192 = arith.minsi %max3A_189, %min3A_191 : vector<16xi32>
          %gather3A_193 = tpu.vector_load_idx %arg12[%min3A_192] : memref<13776xf32, #tpu.memory_space<vmem>>[vector<16xi32>], vector<16xf32>,
          %gather3A_194 = tpu.vector_load_idx %arg13[%min3A_192] : memref<13776xf32, #tpu.memory_space<vmem>>[vector<16xi32>], vector<16xf32>,
          %jit3A_195 = arith.constant -1.000000e+00 : f32
          %broadcast_in_dim3A_196 = vector.broadcast %jit3A_195 : f32 to vector<16xf32>
          %select_n3A_197 = arith.select %ge3A_186, %gather3A_193, %broadcast_in_dim3A_196 : vector<16xi1>, vector<16xf32>
          %jit3A_198 = arith.constant -1.000000e+00 : f32
          %broadcast_in_dim3A_199 = vector.broadcast %jit3A_198 : f32 to vector<16xf32>
          %select_n3A_200 = arith.select %ge3A_186, %gather3A_194, %broadcast_in_dim3A_199 : vector<16xi1>, vector<16xf32>
          %mul3A_201 = arith.constant 2 : i32
          %mul3A_202 = vector.broadcast %mul3A_201 : i32 to vector<16xi32>
          %mul3A_203 = arith.muli %iota3A, %mul3A_202 : vector<16xi32>
          %mul3A_204 = arith.constant 32 : i32
          %mul3A_205 = arith.muli %scan3A_178, %mul3A_204 : i32
          %add3A_206 = vector.broadcast %mul3A_205 : i32 to vector<16xi32>
          %add3A_207 = arith.addi %mul3A_203, %add3A_206 : vector<16xi32>
          tpu.vector_store_idx %arg15[%add3A_143, %add3A_207], %select_n3A_197 : memref<8x512xf32, #tpu.memory_space<vmem>>[vector<16xi32>, vector<16xi32>], vector<16xf32>,
          %add3A_208 = arith.constant 1 : i32
          %add3A_209 = vector.broadcast %add3A_208 : i32 to vector<16xi32>
          %add3A_210 = arith.addi %add3A_207, %add3A_209 : vector<16xi32>
          tpu.vector_store_idx %arg15[%add3A_143, %add3A_210], %select_n3A_200 : memref<8x512xf32, #tpu.memory_space<vmem>>[vector<16xi32>, vector<16xi32>], vector<16xf32>,
          %scan3A_211 = arith.constant 2 : i32
          %scan3A_212 = arith.addi %scan3A_149, %scan3A_211 : i32
          %mul3A_213 = arith.constant 16 : i32
          %mul3A_214 = arith.muli %scan3A_212, %mul3A_213 : i32
          %get3A_215 = arith.index_cast %scan3A_141 : i32 to index
          %get3A_216 = arith.index_cast %mul3A_214 : i32 to index
          %get3A_217 = tpu.vector_load %arg14[%get3A_215, %get3A_216] {strides = array<i32>} : memref<8x256xi32, #tpu.memory_space<vmem>>, vector<16xi32>,
          %ge3A_218 = arith.constant 0 : i32
          %ge3A_219 = vector.broadcast %ge3A_218 : i32 to vector<16xi32>
          %ge3A_220 = arith.cmpi sge, %get3A_217, %ge3A_219 : vector<16xi32>
          %max3A_221 = arith.constant 0 : i32
          %max3A_222 = vector.broadcast %max3A_221 : i32 to vector<16xi32>
          %max3A_223 = arith.maxsi %get3A_217, %max3A_222 : vector<16xi32>
          %min3A_224 = arith.constant 13775 : i32
          %min3A_225 = vector.broadcast %min3A_224 : i32 to vector<16xi32>
          %min3A_226 = arith.minsi %max3A_223, %min3A_225 : vector<16xi32>
          %gather3A_227 = tpu.vector_load_idx %arg12[%min3A_226] : memref<13776xf32, #tpu.memory_space<vmem>>[vector<16xi32>], vector<16xf32>,
          %gather3A_228 = tpu.vector_load_idx %arg13[%min3A_226] : memref<13776xf32, #tpu.memory_space<vmem>>[vector<16xi32>], vector<16xf32>,
          %jit3A_229 = arith.constant -1.000000e+00 : f32
          %broadcast_in_dim3A_230 = vector.broadcast %jit3A_229 : f32 to vector<16xf32>
          %select_n3A_231 = arith.select %ge3A_220, %gather3A_227, %broadcast_in_dim3A_230 : vector<16xi1>, vector<16xf32>
          %jit3A_232 = arith.constant -1.000000e+00 : f32
          %broadcast_in_dim3A_233 = vector.broadcast %jit3A_232 : f32 to vector<16xf32>
          %select_n3A_234 = arith.select %ge3A_220, %gather3A_228, %broadcast_in_dim3A_233 : vector<16xi1>, vector<16xf32>
          %mul3A_235 = arith.constant 2 : i32
          %mul3A_236 = vector.broadcast %mul3A_235 : i32 to vector<16xi32>
          %mul3A_237 = arith.muli %iota3A, %mul3A_236 : vector<16xi32>
          %mul3A_238 = arith.constant 32 : i32
          %mul3A_239 = arith.muli %scan3A_212, %mul3A_238 : i32
          %add3A_240 = vector.broadcast %mul3A_239 : i32 to vector<16xi32>
          %add3A_241 = arith.addi %mul3A_237, %add3A_240 : vector<16xi32>
          tpu.vector_store_idx %arg15[%add3A_143, %add3A_241], %select_n3A_231 : memref<8x512xf32, #tpu.memory_space<vmem>>[vector<16xi32>, vector<16xi32>], vector<16xf32>,
          %add3A_242 = arith.constant 1 : i32
          %add3A_243 = vector.broadcast %add3A_242 : i32 to vector<16xi32>
          %add3A_244 = arith.addi %add3A_241, %add3A_243 : vector<16xi32>
          tpu.vector_store_idx %arg15[%add3A_143, %add3A_244], %select_n3A_234 : memref<8x512xf32, #tpu.memory_space<vmem>>[vector<16xi32>, vector<16xi32>], vector<16xf32>,
          %scan3A_245 = arith.constant 3 : i32
          %scan3A_246 = arith.addi %scan3A_149, %scan3A_245 : i32
          %mul3A_247 = arith.constant 16 : i32
          %mul3A_248 = arith.muli %scan3A_246, %mul3A_247 : i32
          %get3A_249 = arith.index_cast %scan3A_141 : i32 to index
          %get3A_250 = arith.index_cast %mul3A_248 : i32 to index
          %get3A_251 = tpu.vector_load %arg14[%get3A_249, %get3A_250] {strides = array<i32>} : memref<8x256xi32, #tpu.memory_space<vmem>>, vector<16xi32>,
          %ge3A_252 = arith.constant 0 : i32
          %ge3A_253 = vector.broadcast %ge3A_252 : i32 to vector<16xi32>
          %ge3A_254 = arith.cmpi sge, %get3A_251, %ge3A_253 : vector<16xi32>
          %max3A_255 = arith.constant 0 : i32
          %max3A_256 = vector.broadcast %max3A_255 : i32 to vector<16xi32>
          %max3A_257 = arith.maxsi %get3A_251, %max3A_256 : vector<16xi32>
          %min3A_258 = arith.constant 13775 : i32
          %min3A_259 = vector.broadcast %min3A_258 : i32 to vector<16xi32>
          %min3A_260 = arith.minsi %max3A_257, %min3A_259 : vector<16xi32>
          %gather3A_261 = tpu.vector_load_idx %arg12[%min3A_260] : memref<13776xf32, #tpu.memory_space<vmem>>[vector<16xi32>], vector<16xf32>,
          %gather3A_262 = tpu.vector_load_idx %arg13[%min3A_260] : memref<13776xf32, #tpu.memory_space<vmem>>[vector<16xi32>], vector<16xf32>,
          %jit3A_263 = arith.constant -1.000000e+00 : f32
          %broadcast_in_dim3A_264 = vector.broadcast %jit3A_263 : f32 to vector<16xf32>
          %select_n3A_265 = arith.select %ge3A_254, %gather3A_261, %broadcast_in_dim3A_264 : vector<16xi1>, vector<16xf32>
          %jit3A_266 = arith.constant -1.000000e+00 : f32
          %broadcast_in_dim3A_267 = vector.broadcast %jit3A_266 : f32 to vector<16xf32>
          %select_n3A_268 = arith.select %ge3A_254, %gather3A_262, %broadcast_in_dim3A_267 : vector<16xi1>, vector<16xf32>
          %mul3A_269 = arith.constant 2 : i32
          %mul3A_270 = vector.broadcast %mul3A_269 : i32 to vector<16xi32>
          %mul3A_271 = arith.muli %iota3A, %mul3A_270 : vector<16xi32>
          %mul3A_272 = arith.constant 32 : i32
          %mul3A_273 = arith.muli %scan3A_246, %mul3A_272 : i32
          %add3A_274 = vector.broadcast %mul3A_273 : i32 to vector<16xi32>
          %add3A_275 = arith.addi %mul3A_271, %add3A_274 : vector<16xi32>
          tpu.vector_store_idx %arg15[%add3A_143, %add3A_275], %select_n3A_265 : memref<8x512xf32, #tpu.memory_space<vmem>>[vector<16xi32>, vector<16xi32>], vector<16xf32>,
          %add3A_276 = arith.constant 1 : i32
          %add3A_277 = vector.broadcast %add3A_276 : i32 to vector<16xi32>
          %add3A_278 = arith.addi %add3A_275, %add3A_277 : vector<16xi32>
          tpu.vector_store_idx %arg15[%add3A_143, %add3A_278], %select_n3A_268 : memref<8x512xf32, #tpu.memory_space<vmem>>[vector<16xi32>, vector<16xi32>], vector<16xf32>,
        }
        %scan3A_148 = arith.constant 16 : i32
      }
      %scan3A_140 = arith.constant 8 : i32
      "tpu.region"() ({
        %run_scoped3A = tpu.sem_alloc : memref<!tpu.dma_semaphore, #tpu.memory_space<semaphore_mem>>
        %dma_start3A = arith.constant 0 : i32
        %dma_start3A_141 = tpu.memref_slice %arg6[%select_n3A, %add3A_134, %dma_start3A] : memref<8x256x512xf32, #tpu.memory_space<hbm>> -> memref<1x8x512xf32, #tpu.memory_space<hbm>>
        %dma_start3A_142 = tpu.memref_squeeze %dma_start3A_141 : memref<1x8x512xf32, #tpu.memory_space<hbm>> -> memref<8x512xf32, #tpu.memory_space<hbm>>
        %dma_start3A_143 = arith.constant 0 : i32
        %dma_start3A_144 = tpu.memref_slice %arg6[%select_n3A, %add3A_134, %dma_start3A_143] : memref<8x256x512xf32, #tpu.memory_space<hbm>> -> memref<1x8x512xf32, #tpu.memory_space<hbm>>
        %dma_start3A_145 = tpu.memref_squeeze %dma_start3A_144 : memref<1x8x512xf32, #tpu.memory_space<hbm>> -> memref<8x512xf32, #tpu.memory_space<hbm>>
        tpu.enqueue_dma source(%arg15 : memref<8x512xf32, #tpu.memory_space<vmem>>) target(%dma_start3A_145 : memref<8x512xf32, #tpu.memory_space<hbm>>) target_semaphore(%run_scoped3A : memref<!tpu.dma_semaphore, #tpu.memory_space<semaphore_mem>>)
        %dma_wait3A = arith.constant 0 : i32
        %dma_wait3A_146 = tpu.memref_slice %arg6[%select_n3A, %add3A_134, %dma_wait3A] : memref<8x256x512xf32, #tpu.memory_space<hbm>> -> memref<1x8x512xf32, #tpu.memory_space<hbm>>
        %dma_wait3A_147 = tpu.memref_squeeze %dma_wait3A_146 : memref<1x8x512xf32, #tpu.memory_space<hbm>> -> memref<8x512xf32, #tpu.memory_space<hbm>>
        %dma_wait3A_148 = arith.constant 0 : i32
        %dma_wait3A_149 = tpu.memref_slice %arg6[%select_n3A, %add3A_134, %dma_wait3A_148] : memref<8x256x512xf32, #tpu.memory_space<hbm>> -> memref<1x8x512xf32, #tpu.memory_space<hbm>>
        %dma_wait3A_150 = tpu.memref_squeeze %dma_wait3A_149 : memref<1x8x512xf32, #tpu.memory_space<hbm>> -> memref<8x512xf32, #tpu.memory_space<hbm>>
        tpu.wait_dma2 semaphore(%run_scoped3A : memref<!tpu.dma_semaphore, #tpu.memory_space<semaphore_mem>>) src(%arg15 : memref<8x512xf32, #tpu.memory_space<vmem>>) dst(%dma_wait3A_150 : memref<8x512xf32, #tpu.memory_space<hbm>>)
        tpu.yield
      }) : () -> ()
    }
    %scan3A_130 = arith.constant 8 : i32
    return
  }
}

</mosaic_0001>

<sc_bundles>
// kernel: _run.3.cloned.1.call-start
scs
__scs_entry_jumppad:
0x0: {  	(pc) =	sbr.rel $0x88, $3  }
0x1: {  	(tag) =	ssettag $0x0;
	lr =	simm.s32 $0x1  }
0x2: {  	[smem:$0x3F9D] =	sst lr;
	_ =	strace $0xD0000000  }
0x3: {  	_ = 	snop  }
0x4: {  	_ = 	snop  }
0x5: {  	_ = 	snop  }
0x6: {  	_ = 	snop  }
0x7: {  	_ = 	snop  }
__scs_overlays_trampoline_lowered:
0x8: {  	[smem:$0x3FAC] =	sst s0  }
0x9: {  	[smem:$0x3FAD] =	sst s1  }
0xa: {  	[smem:$0x3FAE] =	sst s2  }
0xb: {  	[smem:$0x3FAF] =	sst s3  }
0xc: {  	[smem:$0x3FB0] =	sst s4  }
0xd: {  	[smem:$0x3FB1] =	sst s5  }
0xe: {  	[smem:$0x3FB2] =	sst s6  }
0xf: {  	[smem:$0x3FB3] =	sst s7  }
0x10: {  	[smem:$0x3FB4] =	sst s8  }
0x11: {  	[smem:$0x3FB5] =	sst s9;
	s0 =	simm.s32 @!p0 $0x0  }
0x12: {  	s1 =	sld [smem:$0x3F9B];
	s0 =	simm.s32 @p0 $0x1  }
0x13: {  	[smem:$0x3FB6] =	sst s0;
	s0 =	simm.s32 @!p1 $0x0  }
0x14: {  	s2 =	sld [smem:$0x3F9A];
	s0 =	simm.s32 @p1 $0x1  }
0x15: {  	[smem:$0x3FB7] =	sst s0;
	s0 =	simm.s32 @!p2 $0x0  }
0x16: {  	s3 =	sld [smem:$0x3FDB];
	s0 =	simm.s32 @p2 $0x1  }
0x17: {  	s4 =	simm.s32 $0x1BF5;
	[smem:$0x3FB9] =	sst s0  }
0x18: {  	s0 =	sld [smem:$0x3F9C];
	_ =	swait.ge [sflag:s4], $0x0  }
0x19: {  	s7 =	sld [smem:$0x3F9D]  }
0x1a: {  	s8 =	sadd.s32 $0xFFFFE003, lr  }
0x1b: {  	s9 =	sadd.s32 $0xFFFFFEF7, lr;
	s5 =	simm.s32 $0xFFFFFFFF;
	p2 =	slt.u32 s8, $0xFFFFF086  }
0x1c: {  	p1 =	slt.u32 s9, $0xF7A;
	s5 =	simm.s32 @!p2 $0x0  }
0x1d: {  	s5 =	simm.s32 @p1 $0x1;
	p0 =	seq.s32 s7, s2  }
0x1e: {  	s7 =	smul.u32 @!p0 $0xF7A, s2;
	p2 =	seq.s32 @!p0 s5, $0x0  }
0x1f: {  	s9 =	smul.u32 $0xF7A, s1;
	s8 =	simm.s32 @!p0 $0x1BF5;
	p2 =	por !p2, p0  }
0x20: {  	[sflag:s8] =	ssyncset.s32 @!p0 $0xFFFFF086;
	s6 =	sadd.s32 @!p0 s3, s7;
	s7 =	simm.s32 @!p0 $0x108  }
0x21: {  	s3 =	sadd.s32 s3, s9;
	s6 =	sadd.s32 @!p0 $0x88, s6;
	s7 =	simm.s32 @p2 $0x1082  }
0x22: {  	[simem:s7], [sflag:s8] =	dma.local @!p0 [hbm:s6], $0xF7A  }
0x23: {  	s9 =	sor.u32 $0xD0000000, s2;
	s6 =	simm.s32 $0x108;
	_ =	swait.ge @!p0 [sflag:s8], $0x0  }
0x24: {  	s3 =	sadd.s32 $0x88, s3;
	s6 =	simm.s32 @!p1 $0x1082;
	[sflag:s4] =	ssyncset.s32 $0xFFFFF086  }
0x25: {  	[simem:s6], [sflag:s4] =	dma.local [hbm:s3], $0xF7A  }
0x26: {  	[smem:$0x3F9D] =	sst s1;
	(tag) =	ssettag s2;
	_ =	strace s9  }
0x27: {  	s1 =	sld [smem:$0x3FAD]  }
0x28: {  	s2 =	sld [smem:$0x3FAE]  }
0x29: {  	s4 =	sld [smem:$0x3FB0]  }
0x2a: {  	p0 =	seq.s32 s5, $0x0;
	s5 =	sld [smem:$0x3FB1]  }
0x2b: {  	s6 =	sld [smem:$0x3FB2]  }
0x2c: {  	s7 =	sld [smem:$0x3FB3]  }
0x2d: {  	s3 =	simm.s32 $0x108;
	s8 =	sld [smem:$0x3FB4]  }
0x2e: {  	s3 =	simm.s32 @!p0 $0x1082;
	s9 =	sld [smem:$0x3FB5]  }
0x2f: {  	lr =	sadd.s32 s0, s3;
	s0 =	sld [smem:$0x3FAC]  }
0x30: {  	s3 =	sld [smem:$0x3FAF]  }
0x31: {  	[smem:$0x3FB8] =	sst s10  }
0x32: {  	s10 =	sld [smem:$0x3FB6];
	_ =	sdelay $0x3  }
0x33: {  	p0 =	seq.s32 s10, $0x1;
	s10 =	sld [smem:$0x3FB8];
	_ =	sdelay $0x3  }
0x34: {  	[smem:$0x3FB8] =	sst s10  }
0x35: {  	s10 =	sld [smem:$0x3FB7];
	_ =	sdelay $0x3  }
0x36: {  	p1 =	seq.s32 s10, $0x1;
	s10 =	sld [smem:$0x3FB8];
	_ =	sdelay $0x3  }
0x37: {  	[smem:$0x3FB8] =	sst s10  }
0x38: {  	s10 =	sld [smem:$0x3FB9]  }
0x39: {  	_ = 	snop;
	(pc) =	sbr.ind lr, $3  }
0x3a: {  	_ = 	snop  }
0x3b: {  	_ = 	snop  }
0x3c: {  	p2 =	seq.s32 s10, $0x1;
	s10 =	sld [smem:$0x3FB8]  }
0x3d: {  	_ =	shalt  }
0x3e: {  	_ =	shalt  }
0x3f: {  	_ =	shalt  }
0x40: {  	_ =	shalt  }
0x41: {  	_ =	shalt  }
0x42: {  	_ =	shalt  }
0x43: {  	_ =	shalt  }
0x44: {  	_ =	shalt  }
0x45: {  	_ =	shalt  }
0x46: {  	_ =	shalt  }
0x47: {  	_ =	shalt  }
0x48: {  	_ =	shalt  }
0x49: {  	_ =	shalt  }
0x4a: {  	_ =	shalt  }
0x4b: {  	_ =	shalt  }
0x4c: {  	_ =	shalt  }
0x4d: {  	_ =	shalt  }
0x4e: {  	_ =	shalt  }
0x4f: {  	_ =	shalt  }
0x50: {  	_ =	shalt  }
0x51: {  	_ =	shalt  }
0x52: {  	_ =	shalt  }
0x53: {  	_ =	shalt  }
0x54: {  	_ =	shalt  }
0x55: {  	_ =	shalt  }
0x56: {  	_ =	shalt  }
0x57: {  	_ =	shalt  }
0x58: {  	_ =	shalt  }
0x59: {  	_ =	shalt  }
0x5a: {  	_ =	shalt  }
0x5b: {  	_ =	shalt  }
0x5c: {  	_ =	shalt  }
0x5d: {  	_ =	shalt  }
0x5e: {  	_ =	shalt  }
0x5f: {  	_ =	shalt  }
0x60: {  	_ =	shalt  }
0x61: {  	_ =	shalt  }
0x62: {  	_ =	shalt  }
0x63: {  	_ =	shalt  }
0x64: {  	_ =	shalt  }
0x65: {  	_ =	shalt  }
0x66: {  	_ =	shalt  }
0x67: {  	_ =	shalt  }
0x68: {  	_ =	shalt  }
0x69: {  	_ =	shalt  }
0x6a: {  	_ =	shalt  }
0x6b: {  	_ =	shalt  }
0x6c: {  	_ =	shalt  }
0x6d: {  	_ =	shalt  }
0x6e: {  	_ =	shalt  }
0x6f: {  	_ =	shalt  }
0x70: {  	_ =	shalt  }
0x71: {  	_ =	shalt  }
0x72: {  	_ =	shalt  }
0x73: {  	_ =	shalt  }
0x74: {  	_ =	shalt  }
0x75: {  	_ =	shalt  }
0x76: {  	_ =	shalt  }
0x77: {  	_ =	shalt  }
0x78: {  	_ =	shalt  }
0x79: {  	_ =	shalt  }
0x7a: {  	_ =	shalt  }
0x7b: {  	_ =	shalt  }
0x7c: {  	_ =	shalt  }
0x7d: {  	_ =	shalt  }
0x7e: {  	_ =	shalt  }
0x7f: {  	_ =	shalt  }
0x80: {  	_ =	shalt  }
0x81: {  	_ =	shalt  }
0x82: {  	_ =	shalt  }
0x83: {  	_ =	shalt  }
0x84: {  	_ =	shalt  }
0x85: {  	_ =	shalt  }
0x86: {  	_ =	shalt  }
0x87: {  	_ =	shalt  }
.Lfunc_end0:
.L_simem_size_0:
called_computation_lowered:
.L_overlay_start_0:
0x88: {  	s2 =	sld [smem:$0x3FD9]  }
0x89: {  	s3 =	sld [smem:$0x3FFE];
	_ =	sdelay $0x1  }
0x8a: {  	s1 =	srdreg.scid  }
0x8b: {  	s0 =	sand.u32 $0x1, s1  }
0x8c: {  	s17 =	sshll.u32 s0, $0xA;
	s2 =	sadd.s32 s3, s2  }
0x8d: {  	s2 =	sadd.s32 s2, s17  }
0x8e: {  	[smem:$0x3FC4] =	sst s2  }
0x8f: {  	_ = 	snop  }
0x90: {  	s2 =	sld [smem:$0x3FD0];
	(tm) =	ssettm $0x1  }
0x91: {  	s18 =	sld [smem:$0x3FFB];
	_ =	sdelay $0x3  }
0x92: {  	_ =	strace s18  }
0x93: {  	s3 =	sld [smem:$0x3FFC];
	_ =	sdelay $0x3  }
0x94: {  	_ =	strace s3  }
0x95: {  	s3 =	sld [smem:$0x3FFD];
	_ =	sdelay $0x3  }
0x96: {  	_ =	strace s3  }
0x97: {  	_ =	strace $0x8FFFFFFF  }
0x98: {  	s19 =	sld [smem:$0x3FDB];
	_ =	sdelay $0x1  }
0x99: {  	s4 =	simm.s32 $_scs_section_size  }
0x9a: {  	s5 =	simm.s32 $_size__tile_overlayer_lowered;
	s6 =	simm.s32 $_tile_overlayer_lowered  }
0x9b: {  	s22 =	simm.s32 $0x1BFF;
	s21 =	sshll.u32 s6, $0x1;
	s3 =	sadd.s32 s4, s19  }
0x9c: {  	s7 =	simm.s32 $0x0;
	s20 =	sshll.u32 s5, $0x1;
	s5 =	sadd.s32 s21, s3  }
0x9d: {  	[timem:s7], [sflag:s22] =	dma.local [hbm:s5], s20  }
0x9e: {  	_ =	swait.ge [sflag:s22], s20  }
0x9f: {  	s4 =	ssub.s32 $0x0, s20;
	[sflag:s22] =	ssyncset.done $0x0  }
0xa0: {  	[sflag:s22] =	ssyncadd.s32 s4;
	_ =	sdelay $0x1  }
0xa1: {  	s23 =	simm.s32 $0x1B8B  }
0xa2: {  	_ =	swait.ge [sflag:s23], $0x1  }
0xa3: {  	[sflag:s23] =	ssyncset.done $0x0  }
0xa4: {  	s25 =	simm.s32 $0x1B8E;
	s24 =	sld [smem:$0x3FFE];
	[sflag:s23] =	ssyncadd.s32 $0xFFFFFFFF  }
0xa5: {  	s26 =	simm.s32 $execute0_lowered;
	[smem:$0x3FD2] =	sst s25  }
0xa6: {  	s5 =	sshll.u32 s26, $0x1;
	_ =	strace $0x80000046;
	[dreg:$0x1] =	wrdreg $0xFFFFFFFF  }
0xa7: {  	s28 =	simm.s32 $_size_execute0_lowered;
	s3 =	sadd.s32 s3, s5;
	[dreg:$0x0] =	wrdreg $0x0  }
0xa8: {  	s5 =	sshll.u32 s28, $0x1;
	[dreg:$0x2] =	wrdreg s3  }
0xa9: {  	[dreg:$0x3] =	wrdreg s5  }
0xaa: {  	[dreg:$0x4] =	wrdreg $0xC0  }
0xab: {  	_ =	task [dreg:s7], $0x5FFFF  }
0xac: {  	[dreg:$0x1] =	wrdreg $0xFFFFFFFF  }
0xad: {  	[dreg:$0x0] =	wrdreg $0x60  }
0xae: {  	[dreg:$0x2] =	wrdreg s24  }
0xaf: {  	[dreg:$0x3] =	wrdreg s2  }
0xb0: {  	[dreg:$0x4] =	wrdreg $0x9  }
0xb1: {  	_ =	task.clear_ibuf [dreg:s7], $0x5FFFF;
	_ =	strace $0x90000046  }
0xb2: {  	s29 =	simm.s32 $0x9;
	_ =	strace $0x80000048  }
0xb3: {  	_ =	swait.ge [sflag:s29], $0x1  }
0xb4: {  	[sflag:s29] =	ssyncadd.s32 $0xFFFFFFFF  }
0xb5: {  	_ =	strace $0x90000048  }
0xb6: {  	_ =	sfence  }
0xb7: {  	s30 =	sld [smem:$0x0];
	_ =	sdelay $0x2  }
0xb8: {  	s31 =	sshll.u32 s1, $0xD;
	s1 =	sshrl.u32 s1, $0x2  }
0xb9: {  	s3 =	sand.u32 $0x4000, s31;
	s1 =	sadd.s32 s1, s30  }
0xba: {  	s0 =	sor.u32 s3, s0;
	s1 =	sshll.u32 s1, $0x11  }
0xbb: {  	s0 =	sor.u32 s1, s0  }
0xbc: {  	s0 =	sadd.s32 $0x8F2B, s0  }
0xbd: {  	[sflag:s0] =	ssyncadd.remote.s32 $0x1  }
0xbe: {  	_ =	sfence.sel $0xFFFF  }
0xbf: {  	[dreg:$0x0] =	wrdreg $0xFFFFFFFF;
	(pc) =	sbr.abs _section_cstart, $3  }
0xc0: {  	[dreg:$0x1] =	wrdreg $0xFFFFFFFF  }
0xc1: {  	_ =	task.clear_ibuf [dreg:s7], $0x2FFFF;
	_ =	strace $0x9FFFFFFF  }
0xc2: {  	(tm) =	ssettm $0x7FFFFFFF  }
0xc3: {  	_ =	shalt  }
tec
execute0_lowered:
.L_overlay_start_1:
0x0: {  	(tag) =	ssettag $0x1  }
0x1: {  	s5 =	rddreg [dreg:$0x0]  }
0x2: {  	s7 =	rddreg [dreg:$0x1];
	s1 =	stileid.u32  }
0x3: {  	s0 =	rddreg [dreg:$0x2];
	s2 =	simm.s32 $0x0;
	s9 =	srdreg.scid  }
0x4: {  	s14 =	simm.s32 $0x13030;
	s15 =	simm.s32 $0x1B6C0;
	s16 =	simm.s32 $0x14B20  }
0x5: {  	s17 =	simm.s32 $0x180F0;
	s18 =	simm.s32 $0x1BEC0;
	s19 =	simm.s32 $0x0  }
0x6: {  	v14 =	vlaneseq.u32;
	s6 =	sshrl.u32 s1, $0x1;
	[smem:$0x7FF] =	sst s2;
	s3 =	sadd.s32 $0x11800, s5  }
0x7: {  	s9 =	sand.u32 $0x1, s9;
	s13 =	sshll.u32 s1, $0x1;
	v1 =	vmul.u32 $0x8, v14;
	s10 =	sshll.u32 s6, $0x3  }
0x8: {  	v14 =	vmul.u32 $0x2, v14;
	s4 =	smul.u32 $0x1AF0, s6;
	_ =	strace $0x80000047;
	s11 =	sshll.u32 s6, $0xE;
	v0 =	vmov s10  }
0x9: {  	s12 =	ssub.s32 $0x2, s9;
	s30 =	sand.u32 $0x2, s13;
	s31 =	sshll.u32 s6, $0xD;
	v4 =	vor.u32 $0xD600, v1;
	v5 =	vor.u32 $0xD601, v1;
	v6 =	vor.u32 $0xD680, v1  }
0xa: {  	s13 =	simm.s32 $0x11540;
	s28 =	sadd.s32 s11, s5;
	s29 =	sshrl.u32 s12, $0x1;
	v7 =	vor.u32 $0xD681, v1;
	v8 =	vor.u32 $0xD700, v1;
	v9 =	vor.u32 $0xD701, v1  }
0xb: {  	s9 =	sor.u32 s9, s30;
	s7 =	sadd.s32 s7, s31;
	s10 =	simm.s32 $0x1;
	v10 =	vor.u32 $0x3C00, v1;
	v11 =	vor.u32 $0x3C01, v1;
	v12 =	vor.u32 $0x3C02, v1  }
0xc: {  	s11 =	simm.s32 $0x40;
	v13 =	vor.u32 $0x3C80, v1;
	v15 =	vor.u32 $0x3C81, v1;
	v16 =	vor.u32 $0x3C82, v1;
	s8 =	sadd.s32 s4, s5;
	s4 =	sadd.s32 $0xE200, s5  }
0xd: {  	v17 =	vor.u32 $0x3D00, v1;
	v18 =	vor.u32 $0x3D01, v1;
	v19 =	vor.u32 $0x3D02, v1;
	s12 =	ssub.s32 s12, s29;
	s6 =	sshll.u32 s9, $0x6;
	s5 =	sadd.s32 $0xA00, s8  }
0xe: {  	v20 =	vor.u32 $0x1, v14;
	v2 =	vor.u32 $0x1, v0;
	v3 =	vor.u32 $0x2, v0;
	s8 =	sadd.s32 $0x11A00, s28;
	s9 =	smax.u32 s12, $0x1;
	s12 =	simm.s32 $0xD7C0  }
.LBB2_1:
0xf: {  	[tilespmem:s2], [sflag:$0x1] =	stream.linear.gather [hbm4b:s3+s2], $0x40, $0x38;
	[tilespmem:$0x1CEC0] =	vst v63  }
0x10: {  	_ =	swait.ge [sflag:s10], $0x40  }
0x11: {  	[sflag:s10] =	ssyncset.done $0x0  }
0x12: {  	v21 =	vmov s2;
	[sflag:s10] =	ssyncadd.s32 $0xFFFFFFC0  }
0x13: {  	v21 =	vshll.u32 v21, $0x3;
	[tilespmem:s11], [sflag:$0x1] =	stream.linear.gather [hbm4b:s5+s2], $0xD780, $0x38;
	[tilespmem:$0x1CEC0] =	vst v63  }
0x14: {  	v23 =	vor.u32 v1, v21;
	_ =	swait.ge [sflag:s10], $0xD780  }
0x15: {  	v24 =	vor.u32 $0x1, v23;
	[sflag:s10] =	ssyncset.done $0x0  }
0x16: {  	[sflag:s10] =	ssyncadd.s32 $0xFFFF2880  }
0x17: {  	v21 =	vld.idx.msk [tilespmem:v2+s2+$0x0], $0xffff  }
0x18: {  	v22 =	vld.idx.msk [tilespmem:v3+s2+$0x0], $0xffff  }
0x19: {  	v25 =	vld.idx.msk [tilespmem:v23+s11+$0x0], $0xffff  }
0x1a: {  	v24 =	vld.idx.msk [tilespmem:v24+s11+$0x0], $0xffff  }
0x1b: {  	v23 =	vld.idx.msk [tilespmem:v0+s2+$0x0], $0xffff  }
0x1c: {  	s20 =	simm.s32 $0x10  }
0x1d: {  	v26 =	vmov s20  }
0x1e: {  	v26 =	vshll.u32 v26, $0x3;
	v25 =	vadd.f32 v25, v21  }
0x1f: {  	v26 =	vor.u32 v1, v26;
	v24 =	vadd.f32 v24, v22  }
0x20: {  	v27 =	vor.u32 $0x1, v26;
	v25 =	vmul.f32 v25, v23  }
0x21: {  	s21 =	simm.s32 $0x11560;
	v24 =	vmul.f32 v24, v23  }
0x22: {  	s20 =	simm.s32 $0x13050;
	[tilespmem:s21+$0xFFFFFFE0] =	vst v25  }
0x23: {  	[tilespmem:s20+$0xFFFFFFE0] =	vst v24  }
0x24: {  	v24 =	vld.idx.msk [tilespmem:v26+s11+$0x0], $0xffff  }
0x25: {  	v25 =	vld.idx.msk [tilespmem:v27+s11+$0x0], $0xffff;
	_ =	sdelay $0x1  }
0x26: {  	s22 =	simm.s32 $0x20  }
0x27: {  	v26 =	vmov s22  }
0x28: {  	v26 =	vshll.u32 v26, $0x3;
	v24 =	vadd.f32 v24, v21  }
0x29: {  	v26 =	vor.u32 v1, v26;
	v25 =	vadd.f32 v25, v22  }
0x2a: {  	v27 =	vor.u32 $0x1, v26;
	v24 =	vmul.f32 v24, v23  }
0x2b: {  	v25 =	vmul.f32 v25, v23  }
0x2c: {  	[tilespmem:s21+$0xFFFFFFF0] =	vst v24  }
0x2d: {  	[tilespmem:s20+$0xFFFFFFF0] =	vst v25  }
0x2e: {  	v24 =	vld.idx.msk [tilespmem:v26+s11+$0x0], $0xffff  }
0x2f: {  	v25 =	vld.idx.msk [tilespmem:v27+s11+$0x0], $0xffff;
	_ =	sdelay $0x1  }
0x30: {  	s31 =	simm.s32 $0x30  }
0x31: {  	v26 =	vmov s31  }
0x32: {  	v26 =	vshll.u32 v26, $0x3;
	v24 =	vadd.f32 v24, v21  }
0x33: {  	v26 =	vor.u32 v1, v26;
	v25 =	vadd.f32 v25, v22  }
0x34: {  	v24 =	vmul.f32 v24, v23  }
0x35: {  	v27 =	vor.u32 $0x1, v26;
	v25 =	vmul.f32 v25, v23  }
0x36: {  	[tilespmem:s21+$0x0] =	vst v24  }
0x37: {  	[tilespmem:s20+$0x0] =	vst v25  }
0x38: {  	v24 =	vld.idx.msk [tilespmem:v26+s11+$0x0], $0xffff;
	_ =	sdelay $0x1  }
0x39: {  	v25 =	vld.idx.msk [tilespmem:v27+s11+$0x0], $0xffff;
	_ =	sdelay $0x1  }
0x3a: {  	s22 =	simm.s32 $0x40  }
0x3b: {  	v26 =	vmov s22;
	v24 =	vadd.f32 v24, v21  }
0x3c: {  	v26 =	vshll.u32 v26, $0x3  }
0x3d: {  	v27 =	vadd.f32 v25, v22;
	v28 =	vmul.f32 v24, v23;
	v24 =	vor.u32 v1, v26  }
0x3e: {  	v25 =	vor.u32 $0x1, v24  }
0x3f: {  	v26 =	vmul.f32 v27, v23  }
0x40: {  	s23 =	simm.s32 $0x4;
	[tilespmem:s21+$0x10] =	vst v28  }
.LBB2_2:
0x41: {  	s23 =	sadd.s32 $0x4, s23;
	[tilespmem:s20+$0x10] =	vst v26;
	s21 =	sadd.s32 $0x40, s21;
	s20 =	sadd.s32 $0x40, s20  }
0x42: {  	p0 =	slt.u32 s23, $0x1A8;
	v24 =	vld.idx.msk [tilespmem:v24+s11+$0x0], $0xffff  }
0x43: {  	v25 =	vld.idx.msk [tilespmem:v25+s11+$0x0], $0xffff;
	_ =	sdelay $0x2  }
0x44: {  	s24 =	sadd.s32 $0x10, s22  }
0x45: {  	v26 =	vmov s24  }
0x46: {  	v26 =	vshll.u32 v26, $0x3;
	v24 =	vadd.f32 v24, v21  }
0x47: {  	v26 =	vor.u32 v1, v26;
	v25 =	vadd.f32 v25, v22  }
0x48: {  	v27 =	vor.u32 $0x1, v26;
	v24 =	vmul.f32 v24, v23  }
0x49: {  	v25 =	vmul.f32 v25, v23  }
0x4a: {  	[tilespmem:s21+$0xFFFFFFE0] =	vst v24  }
0x4b: {  	[tilespmem:s20+$0xFFFFFFE0] =	vst v25  }
0x4c: {  	v24 =	vld.idx.msk [tilespmem:v26+s11+$0x0], $0xffff  }
0x4d: {  	v25 =	vld.idx.msk [tilespmem:v27+s11+$0x0], $0xffff;
	_ =	sdelay $0x2  }
0x4e: {  	s24 =	sadd.s32 $0x20, s22  }
0x4f: {  	v26 =	vmov s24  }
0x50: {  	v26 =	vshll.u32 v26, $0x3;
	v24 =	vadd.f32 v24, v21  }
0x51: {  	v26 =	vor.u32 v1, v26;
	v25 =	vadd.f32 v25, v22  }
0x52: {  	v27 =	vor.u32 $0x1, v26;
	v24 =	vmul.f32 v24, v23  }
0x53: {  	v25 =	vmul.f32 v25, v23  }
0x54: {  	[tilespmem:s21+$0xFFFFFFF0] =	vst v24  }
0x55: {  	[tilespmem:s20+$0xFFFFFFF0] =	vst v25  }
0x56: {  	v24 =	vld.idx.msk [tilespmem:v26+s11+$0x0], $0xffff  }
0x57: {  	v25 =	vld.idx.msk [tilespmem:v27+s11+$0x0], $0xffff;
	_ =	sdelay $0x2  }
0x58: {  	s24 =	sadd.s32 $0x30, s22  }
0x59: {  	v26 =	vmov s24  }
0x5a: {  	v26 =	vshll.u32 v26, $0x3;
	v24 =	vadd.f32 v24, v21  }
0x5b: {  	v26 =	vor.u32 v1, v26;
	v25 =	vadd.f32 v25, v22  }
0x5c: {  	v27 =	vor.u32 $0x1, v26;
	v24 =	vmul.f32 v24, v23  }
0x5d: {  	v25 =	vmul.f32 v25, v23  }
0x5e: {  	[tilespmem:s21+$0x0] =	vst v24  }
0x5f: {  	[tilespmem:s20+$0x0] =	vst v25  }
0x60: {  	v24 =	vld.idx.msk [tilespmem:v26+s11+$0x0], $0xffff  }
0x61: {  	v25 =	vld.idx.msk [tilespmem:v27+s11+$0x0], $0xffff;
	_ =	sdelay $0x2  }
0x62: {  	s22 =	sadd.s32 $0x40, s22  }
0x63: {  	v26 =	vmov s22  }
.Ltmp0:
0x64: {  	v26 =	vshll.u32 v26, $0x3;
	v27 =	vadd.f32 v24, v21;
	(pc) =	sbr.rel @p0 .LBB2_2-.Ltmp0, $4  }
0x65: {  	v24 =	vor.u32 v1, v26;
	v26 =	vadd.f32 v25, v22  }
0x66: {  	v25 =	vor.u32 $0x1, v24;
	v27 =	vmul.f32 v27, v23  }
0x67: {  	v26 =	vmul.f32 v26, v23  }
0x68: {  	[tilespmem:s21+$0x10] =	vst v27  }
0x69: {  	_ =	sdelay $0x2  }
0x6a: {  	[tilespmem:s20+$0x10] =	vst v26  }
0x6b: {  	v24 =	vld.idx.msk [tilespmem:v24+s11+$0x0], $0xffff  }
0x6c: {  	v25 =	vld.idx.msk [tilespmem:v25+s11+$0x0], $0xffff;
	_ =	sdelay $0x1  }
0x6d: {  	s23 =	sadd.s32 $0x10, s22  }
0x6e: {  	v59 =	vmov s23  }
0x6f: {  	v26 =	vshll.u32 v59, $0x3;
	v24 =	vadd.f32 v24, v21  }
0x70: {  	v26 =	vor.u32 v1, v26;
	v25 =	vadd.f32 v25, v22  }
0x71: {  	v27 =	vor.u32 $0x1, v26;
	v24 =	vmul.f32 v24, v23  }
0x72: {  	s21 =	sadd.s32 $0x40, s21;
	v25 =	vmul.f32 v25, v23  }
0x73: {  	s29 =	sadd.s32 $0x40, s20;
	[tilespmem:s21+$0xFFFFFFE0] =	vst v24  }
0x74: {  	[tilespmem:s29+$0xFFFFFFE0] =	vst v25  }
0x75: {  	v24 =	vld.idx.msk [tilespmem:v26+s11+$0x0], $0xffff  }
0x76: {  	v25 =	vld.idx.msk [tilespmem:v27+s11+$0x0], $0xffff;
	_ =	sdelay $0x1  }
0x77: {  	s30 =	sadd.s32 $0x20, s22  }
0x78: {  	v60 =	vmov s30  }
0x79: {  	v26 =	vshll.u32 v60, $0x3;
	v24 =	vadd.f32 v24, v21  }
0x7a: {  	v26 =	vor.u32 v1, v26;
	v25 =	vadd.f32 v25, v22  }
0x7b: {  	v61 =	vor.u32 $0x1, v26;
	v24 =	vmul.f32 v24, v23  }
0x7c: {  	v25 =	vmul.f32 v25, v23  }
0x7d: {  	[tilespmem:s21+$0xFFFFFFF0] =	vst v24  }
0x7e: {  	[tilespmem:s29+$0xFFFFFFF0] =	vst v25  }
0x7f: {  	v24 =	vld.idx.msk [tilespmem:v26+s11+$0x0], $0xffff  }
0x80: {  	v25 =	vld.idx.msk [tilespmem:v61+s11+$0x0], $0xffff;
	_ =	sdelay $0x1  }
0x81: {  	s31 =	sadd.s32 $0x30, s22  }
0x82: {  	v62 =	vmov s31  }
0x83: {  	v26 =	vshll.u32 v62, $0x3;
	v24 =	vadd.f32 v24, v21  }
0x84: {  	v26 =	vor.u32 v1, v26;
	v25 =	vadd.f32 v25, v22  }
0x85: {  	v63 =	vor.u32 $0x1, v26;
	v24 =	vmul.f32 v24, v23  }
0x86: {  	v25 =	vmul.f32 v25, v23  }
0x87: {  	[tilespmem:s21+$0x0] =	vst v24  }
0x88: {  	[tilespmem:s29+$0x0] =	vst v25  }
0x89: {  	v24 =	vld.idx.msk [tilespmem:v26+s11+$0x0], $0xffff  }
0x8a: {  	v25 =	vld.idx.msk [tilespmem:v63+s11+$0x0], $0xffff;
	_ =	sdelay $0x3  }
0x8b: {  	v24 =	vadd.f32 v24, v21  }
0x8c: {  	v25 =	vadd.f32 v25, v22  }
0x8d: {  	v24 =	vmul.f32 v24, v23  }
0x8e: {  	v25 =	vmul.f32 v25, v23  }
0x8f: {  	[tilespmem:s21+$0x10] =	vst v24  }
0x90: {  	[tilespmem:s29+$0x10] =	vst v25  }
0x91: {  	v24 =	vld.idx.msk [tilespmem:v4+s11+$0x0], $0xffff  }
0x92: {  	v25 =	vld.idx.msk [tilespmem:v5+s11+$0x0], $0xffff;
	_ =	sdelay $0x3  }
0x93: {  	v24 =	vadd.f32 v24, v21  }
0x94: {  	v25 =	vadd.f32 v25, v22  }
0x95: {  	v24 =	vmul.f32 v24, v23  }
0x96: {  	v25 =	vmul.f32 v25, v23  }
0x97: {  	[tilespmem:$0x13000] =	vst v24  }
0x98: {  	[tilespmem:$0x14AF0] =	vst v25  }
0x99: {  	v24 =	vld.idx.msk [tilespmem:v6+s11+$0x0], $0xffff  }
0x9a: {  	v25 =	vld.idx.msk [tilespmem:v7+s11+$0x0], $0xffff;
	_ =	sdelay $0x3  }
0x9b: {  	v24 =	vadd.f32 v24, v21  }
0x9c: {  	v25 =	vadd.f32 v25, v22  }
0x9d: {  	v24 =	vmul.f32 v24, v23  }
0x9e: {  	v25 =	vmul.f32 v25, v23  }
0x9f: {  	[tilespmem:$0x13010] =	vst v24  }
0xa0: {  	[tilespmem:$0x14B00] =	vst v25  }
0xa1: {  	v24 =	vld.idx.msk [tilespmem:v8+s11+$0x0], $0xffff  }
0xa2: {  	v25 =	vld.idx.msk [tilespmem:v9+s11+$0x0], $0xffff;
	_ =	sdelay $0x3  }
0xa3: {  	v21 =	vadd.f32 v24, v21  }
0xa4: {  	v22 =	vadd.f32 v25, v22  }
0xa5: {  	v21 =	vmul.f32 v21, v23  }
0xa6: {  	v22 =	vmul.f32 v22, v23  }
0xa7: {  	s20 =	simm.s32 $0x0;
	[tilespmem:$0x13020] =	vst v21  }
0xa8: {  	s22 =	simm.s32 $0x18110;
	s23 =	simm.s32 $0x0;
	s21 =	simm.s32 $0x14B40;
	[tilespmem:$0x14B10] =	vst v22  }
.LBB2_4:
0xa9: {  	s24 =	smul.u32 $0x7B0, s23;
	_ =	sdelay $0x1  }
0xaa: {  	s25 =	sadd.s32 s4, s24  }
0xab: {  	[tilespmem:s12], [sflag:$0x1] =	stream.linear.gather [hbm4b:s25+s20], $0x3D80, $0x38;
	[tilespmem:$0x1CEC0] =	vst v63  }
0xac: {  	_ =	swait.ge [sflag:s10], $0x3D80  }
0xad: {  	s26 =	smov.u32 s22;
	s28 =	smov.u32 s21;
	[sflag:s10] =	ssyncset.done $0x0  }
0xae: {  	s29 =	simm.s32 $0x0;
	s25 =	simm.s32 $0xFFFFFFFC;
	[sflag:s10] =	ssyncadd.s32 $0xFFFFC280  }
.LBB2_5:
0xaf: {  	v21 =	vmov s29  }
0xb0: {  	v21 =	vshll.u32 v21, $0x3  }
0xb1: {  	v21 =	vor.u32 v1, v21;
	_ =	sdelay $0x1  }
0xb2: {  	v22 =	vor.u32 $0x1, v21;
	_ =	sdelay $0x1  }
0xb3: {  	v23 =	vor.u32 $0x2, v21  }
0xb4: {  	v21 =	vld.idx.msk [tilespmem:v21+s12+$0x0], $0xffff;
	_ =	sdelay $0x1  }
0xb5: {  	v22 =	vld.idx.msk [tilespmem:v22+s12+$0x0], $0xffff;
	_ =	sdelay $0x1  }
0xb6: {  	v23 =	vld.idx.msk [tilespmem:v23+s12+$0x0], $0xffff;
	_ =	sdelay $0x3  }
0xb7: {  	v24 =	vld.idx.msk [tilespmem:v21+s13+$0x0], $0xffff  }
0xb8: {  	v21 =	vld.idx.msk [tilespmem:v21+s14+$0x0], $0xffff  }
0xb9: {  	v25 =	vld.idx.msk [tilespmem:v22+s13+$0x0], $0xffff  }
0xba: {  	v22 =	vld.idx.msk [tilespmem:v22+s14+$0x0], $0xffff  }
0xbb: {  	v26 =	vld.idx.msk [tilespmem:v23+s13+$0x0], $0xffff  }
0xbc: {  	v23 =	vld.idx.msk [tilespmem:v23+s14+$0x0], $0xffff;
	_ =	sdelay $0x1  }
0xbd: {  	s30 =	sadd.s32 $0x10, s29;
	v24 =	vadd.f32 v25, v24  }
0xbe: {  	v21 =	vadd.f32 v22, v21;
	v22 =	vmov s30  }
0xbf: {  	v22 =	vshll.u32 v22, $0x3;
	v24 =	vadd.f32 v26, v24  }
0xc0: {  	v21 =	vadd.f32 v23, v21;
	v22 =	vor.u32 v1, v22  }
0xc1: {  	v52 =	vor.u32 $0x1, v22;
	v23 =	vmul.f32 $3.333333430e-01, v24  }
0xc2: {  	v21 =	vmul.f32 $3.333333430e-01, v21  }
0xc3: {  	[tilespmem:s28+$0xFFFFFFE0] =	vst v23  }
0xc4: {  	[tilespmem:s26+$0xFFFFFFE0] =	vst v21;
	v21 =	vor.u32 $0x2, v22  }
0xc5: {  	v22 =	vld.idx.msk [tilespmem:v22+s12+$0x0], $0xffff  }
0xc6: {  	v23 =	vld.idx.msk [tilespmem:v52+s12+$0x0], $0xffff;
	_ =	sdelay $0x2  }
0xc7: {  	v21 =	vld.idx.msk [tilespmem:v21+s12+$0x0], $0xffff;
	_ =	sdelay $0x3  }
0xc8: {  	v53 =	vld.idx.msk [tilespmem:v22+s13+$0x0], $0xffff  }
0xc9: {  	v54 =	vld.idx.msk [tilespmem:v23+s13+$0x0], $0xffff  }
0xca: {  	v22 =	vld.idx.msk [tilespmem:v22+s14+$0x0], $0xffff  }
0xcb: {  	v23 =	vld.idx.msk [tilespmem:v23+s14+$0x0], $0xffff  }
0xcc: {  	v55 =	vld.idx.msk [tilespmem:v21+s13+$0x0], $0xffff  }
0xcd: {  	v21 =	vld.idx.msk [tilespmem:v21+s14+$0x0], $0xffff;
	_ =	sdelay $0x1  }
0xce: {  	s31 =	sadd.s32 $0x20, s29;
	v24 =	vadd.f32 v54, v53  }
0xcf: {  	v22 =	vadd.f32 v23, v22;
	v23 =	vmov s31  }
0xd0: {  	v23 =	vshll.u32 v23, $0x3;
	v24 =	vadd.f32 v55, v24  }
0xd1: {  	v21 =	vadd.f32 v21, v22;
	v22 =	vor.u32 v1, v23  }
0xd2: {  	v56 =	vor.u32 $0x1, v22;
	v23 =	vmul.f32 $3.333333430e-01, v24  }
0xd3: {  	v21 =	vmul.f32 $3.333333430e-01, v21  }
0xd4: {  	[tilespmem:s28+$0xFFFFFFF0] =	vst v23  }
0xd5: {  	[tilespmem:s26+$0xFFFFFFF0] =	vst v21;
	v21 =	vor.u32 $0x2, v22  }
0xd6: {  	v22 =	vld.idx.msk [tilespmem:v22+s12+$0x0], $0xffff  }
0xd7: {  	v23 =	vld.idx.msk [tilespmem:v56+s12+$0x0], $0xffff;
	_ =	sdelay $0x2  }
0xd8: {  	v21 =	vld.idx.msk [tilespmem:v21+s12+$0x0], $0xffff;
	_ =	sdelay $0x3  }
0xd9: {  	v57 =	vld.idx.msk [tilespmem:v22+s13+$0x0], $0xffff  }
0xda: {  	v58 =	vld.idx.msk [tilespmem:v23+s13+$0x0], $0xffff  }
0xdb: {  	v22 =	vld.idx.msk [tilespmem:v22+s14+$0x0], $0xffff  }
0xdc: {  	v23 =	vld.idx.msk [tilespmem:v23+s14+$0x0], $0xffff  }
0xdd: {  	v59 =	vld.idx.msk [tilespmem:v21+s13+$0x0], $0xffff  }
0xde: {  	v21 =	vld.idx.msk [tilespmem:v21+s14+$0x0], $0xffff;
	_ =	sdelay $0x1  }
0xdf: {  	s31 =	sadd.s32 $0x30, s29;
	v24 =	vadd.f32 v58, v57  }
0xe0: {  	v22 =	vadd.f32 v23, v22;
	v23 =	vmov s31  }
0xe1: {  	v23 =	vshll.u32 v23, $0x3;
	v24 =	vadd.f32 v59, v24  }
0xe2: {  	v21 =	vadd.f32 v21, v22;
	v22 =	vor.u32 v1, v23  }
0xe3: {  	v60 =	vor.u32 $0x1, v22;
	v23 =	vmul.f32 $3.333333430e-01, v24  }
0xe4: {  	v21 =	vmul.f32 $3.333333430e-01, v21  }
0xe5: {  	[tilespmem:s28+$0x0] =	vst v23  }
0xe6: {  	[tilespmem:s26+$0x0] =	vst v21;
	v21 =	vor.u32 $0x2, v22  }
0xe7: {  	v22 =	vld.idx.msk [tilespmem:v22+s12+$0x0], $0xffff  }
0xe8: {  	v23 =	vld.idx.msk [tilespmem:v60+s12+$0x0], $0xffff;
	_ =	sdelay $0x2  }
0xe9: {  	v21 =	vld.idx.msk [tilespmem:v21+s12+$0x0], $0xffff;
	_ =	sdelay $0x3  }
0xea: {  	v61 =	vld.idx.msk [tilespmem:v22+s13+$0x0], $0xffff  }
0xeb: {  	v62 =	vld.idx.msk [tilespmem:v23+s13+$0x0], $0xffff  }
0xec: {  	v22 =	vld.idx.msk [tilespmem:v22+s14+$0x0], $0xffff  }
0xed: {  	v23 =	vld.idx.msk [tilespmem:v23+s14+$0x0], $0xffff  }
0xee: {  	v63 =	vld.idx.msk [tilespmem:v21+s13+$0x0], $0xffff  }
0xef: {  	v21 =	vld.idx.msk [tilespmem:v21+s14+$0x0], $0xffff;
	_ =	sdelay $0x1  }
0xf0: {  	v24 =	vadd.f32 v62, v61  }
0xf1: {  	s25 =	sadd.s32 $0x4, s25;
	v22 =	vadd.f32 v23, v22  }
0xf2: {  	p0 =	slt.u32 s25, $0x74;
	v23 =	vadd.f32 v63, v24  }
.Ltmp1:
0xf3: {  	v21 =	vadd.f32 v21, v22;
	(pc) =	sbr.rel @p0 .LBB2_5-.Ltmp1, $4  }
0xf4: {  	v22 =	vmul.f32 $3.333333430e-01, v23  }
0xf5: {  	v21 =	vmul.f32 $3.333333430e-01, v21  }
0xf6: {  	[tilespmem:s28+$0x10] =	vst v22  }
0xf7: {  	s29 =	sadd.s32 $0x40, s29;
	s28 =	sadd.s32 $0x40, s28;
	[tilespmem:s26+$0x10] =	vst v21;
	s26 =	sadd.s32 $0x40, s26  }
0xf8: {  	_ =	sdelay $0x3  }
0xf9: {  	v21 =	vld.idx.msk [tilespmem:v10+s12+$0x0], $0xffff  }
0xfa: {  	v22 =	vld.idx.msk [tilespmem:v11+s12+$0x0], $0xffff;
	_ =	sdelay $0x2  }
0xfb: {  	v23 =	vld.idx.msk [tilespmem:v12+s12+$0x0], $0xffff;
	_ =	sdelay $0x3  }
0xfc: {  	v24 =	vld.idx.msk [tilespmem:v21+s13+$0x0], $0xffff  }
0xfd: {  	v25 =	vld.idx.msk [tilespmem:v22+s13+$0x0], $0xffff  }
0xfe: {  	v21 =	vld.idx.msk [tilespmem:v21+s14+$0x0], $0xffff  }
0xff: {  	v22 =	vld.idx.msk [tilespmem:v22+s14+$0x0], $0xffff  }
0x100: {  	v26 =	vld.idx.msk [tilespmem:v23+s13+$0x0], $0xffff  }
0x101: {  	v23 =	vld.idx.msk [tilespmem:v23+s14+$0x0], $0xffff;
	_ =	sdelay $0x1  }
0x102: {  	v24 =	vadd.f32 v25, v24  }
0x103: {  	v21 =	vadd.f32 v22, v21  }
0x104: {  	v22 =	vadd.f32 v26, v24  }
0x105: {  	v21 =	vadd.f32 v23, v21  }
0x106: {  	v22 =	vmul.f32 $3.333333430e-01, v22  }
0x107: {  	v21 =	vmul.f32 $3.333333430e-01, v21  }
0x108: {  	[tilespmem:s24+$0x152A0] =	vst v22  }
0x109: {  	[tilespmem:s24+$0x18870] =	vst v21  }
0x10a: {  	v21 =	vld.idx.msk [tilespmem:v13+s12+$0x0], $0xffff  }
0x10b: {  	v22 =	vld.idx.msk [tilespmem:v15+s12+$0x0], $0xffff;
	_ =	sdelay $0x2  }
0x10c: {  	v23 =	vld.idx.msk [tilespmem:v16+s12+$0x0], $0xffff;
	_ =	sdelay $0x3  }
0x10d: {  	v58 =	vld.idx.msk [tilespmem:v21+s13+$0x0], $0xffff  }
0x10e: {  	v59 =	vld.idx.msk [tilespmem:v22+s13+$0x0], $0xffff  }
0x10f: {  	v21 =	vld.idx.msk [tilespmem:v21+s14+$0x0], $0xffff  }
0x110: {  	v22 =	vld.idx.msk [tilespmem:v22+s14+$0x0], $0xffff  }
0x111: {  	v60 =	vld.idx.msk [tilespmem:v23+s13+$0x0], $0xffff  }
0x112: {  	v23 =	vld.idx.msk [tilespmem:v23+s14+$0x0], $0xffff;
	_ =	sdelay $0x1  }
0x113: {  	v24 =	vadd.f32 v59, v58  }
0x114: {  	v21 =	vadd.f32 v22, v21  }
0x115: {  	v22 =	vadd.f32 v60, v24  }
0x116: {  	v21 =	vadd.f32 v23, v21  }
0x117: {  	v22 =	vmul.f32 $3.333333430e-01, v22  }
0x118: {  	v21 =	vmul.f32 $3.333333430e-01, v21  }
0x119: {  	[tilespmem:s24+$0x152B0] =	vst v22  }
0x11a: {  	[tilespmem:s24+$0x18880] =	vst v21  }
0x11b: {  	v21 =	vld.idx.msk [tilespmem:v17+s12+$0x0], $0xffff  }
0x11c: {  	v22 =	vld.idx.msk [tilespmem:v18+s12+$0x0], $0xffff;
	_ =	sdelay $0x2  }
0x11d: {  	v23 =	vld.idx.msk [tilespmem:v19+s12+$0x0], $0xffff;
	_ =	sdelay $0x3  }
0x11e: {  	v61 =	vld.idx.msk [tilespmem:v21+s13+$0x0], $0xffff  }
0x11f: {  	v62 =	vld.idx.msk [tilespmem:v22+s13+$0x0], $0xffff  }
0x120: {  	v21 =	vld.idx.msk [tilespmem:v21+s14+$0x0], $0xffff  }
0x121: {  	v22 =	vld.idx.msk [tilespmem:v22+s14+$0x0], $0xffff  }
0x122: {  	v63 =	vld.idx.msk [tilespmem:v23+s13+$0x0], $0xffff  }
0x123: {  	v23 =	vld.idx.msk [tilespmem:v23+s14+$0x0], $0xffff;
	_ =	sdelay $0x1  }
0x124: {  	v24 =	vadd.f32 v62, v61  }
0x125: {  	s23 =	sadd.s32 $0x1, s23;
	v21 =	vadd.f32 v22, v21  }
0x126: {  	p0 =	sne.s32 s23, $0x7;
	v22 =	vadd.f32 v63, v24  }
.Ltmp2:
0x127: {  	v21 =	vadd.f32 v23, v21;
	(pc) =	sbr.rel @p0 .LBB2_4-.Ltmp2, $4  }
0x128: {  	v22 =	vmul.f32 $3.333333430e-01, v22  }
0x129: {  	v21 =	vmul.f32 $3.333333430e-01, v21  }
0x12a: {  	[tilespmem:s24+$0x152C0] =	vst v22  }
0x12b: {  	s21 =	sadd.s32 $0x7B0, s21;
	s22 =	sadd.s32 $0x7B0, s22;
	[tilespmem:s24+$0x18890] =	vst v21;
	s24 =	simm.s32 $0x0  }
0x12c: {  	s20 =	simm.s32 $0x0  }
.LBB2_8:
0x12d: {  	s21 =	sshll.u32 s20, $0x3  }
0x12e: {  	s21 =	sadd.s32 s6, s21  }
0x12f: {  	s22 =	sshll.u32 s21, $0x5  }
0x130: {  	s22 =	sadd.s32 s22, s7  }
0x131: {  	[tilespmem:s15], [sflag:$0x1] =	stream.linear.gather [hbm4b:s22+s24], $0x800, $0x38;
	[tilespmem:$0x1CEC0] =	vst v63  }
0x132: {  	_ =	swait.ge [sflag:s10], $0x800  }
0x133: {  	[sflag:s10] =	ssyncset.done $0x0  }
0x134: {  	s23 =	simm.s32 $0x0;
	s22 =	simm.s32 $0x1B6E0;
	[sflag:s10] =	ssyncadd.s32 $0xFFFFF800  }
.LBB2_9:
0x135: {  	s25 =	sshll.u32 s23, $0x9  }
0x136: {  	s26 =	simm.s32 $0x60;
	s28 =	smov.u32 s22;
	v21 =	vor.u32 s25, v14;
	v22 =	vor.u32 s25, v20;
	s25 =	simm.s32 $0xFFFFFFFC  }
.LBB2_10:
0x137: {  	v23 =	vld [tilespmem:s28+$0xFFFFFFE0];
	_ =	sdelay $0x4  }
0x138: {  	vm0 =	vgt.s32 v23, $0x0  }
0x139: {  	v24 =	vnsel vm0, $0x0, v23  }
0x13a: {  	v24 =	vmin.u32 v24, $0x35CF;
	_ =	sdelay $0x4  }
0x13b: {  	s29 =	sadd.s32 $0xFFFFFFA0, s26;
	v25 =	vld.idx.msk [tilespmem:v24+s16+$0x0], $0xffff  }
0x13c: {  	v26 =	vor.u32 s29, v21;
	v24 =	vld.idx.msk [tilespmem:v24+s17+$0x0], $0xffff  }
0x13d: {  	v27 =	vor.u32 s29, v22;
	_ =	sdelay $0x1  }
0x13e: {  	vm9 =	vgt.s32 v23, $0xFFFFFFFF  }
0x13f: {  	v23 =	vnsel vm9, $0xBF800000, v25  }
0x140: {  	v24 =	vnsel vm9, $0xBF800000, v24;
	[tilespmem:v26+s18+$0x0] =	vst.idx.msk $0xffff, v23  }
0x141: {  	[tilespmem:v27+s18+$0x0] =	vst.idx.msk $0xffff, v24  }
0x142: {  	v23 =	vld [tilespmem:s28+$0xFFFFFFF0];
	_ =	sdelay $0x4  }
0x143: {  	vm10 =	vgt.s32 v23, $0x0  }
0x144: {  	v52 =	vnsel vm10, $0x0, v23  }
0x145: {  	v24 =	vmin.u32 v52, $0x35CF;
	_ =	sdelay $0x4  }
0x146: {  	s30 =	sadd.s32 $0xFFFFFFC0, s26;
	v53 =	vld.idx.msk [tilespmem:v24+s16+$0x0], $0xffff  }
0x147: {  	v54 =	vor.u32 s30, v21;
	v24 =	vld.idx.msk [tilespmem:v24+s17+$0x0], $0xffff  }
0x148: {  	v55 =	vor.u32 s30, v22;
	_ =	sdelay $0x1  }
0x149: {  	vm11 =	vgt.s32 v23, $0xFFFFFFFF  }
0x14a: {  	v23 =	vnsel vm11, $0xBF800000, v53  }
0x14b: {  	v24 =	vnsel vm11, $0xBF800000, v24;
	[tilespmem:v54+s18+$0x0] =	vst.idx.msk $0xffff, v23  }
0x14c: {  	[tilespmem:v55+s18+$0x0] =	vst.idx.msk $0xffff, v24  }
0x14d: {  	v23 =	vld [tilespmem:s28+$0x0];
	_ =	sdelay $0x4  }
0x14e: {  	vm12 =	vgt.s32 v23, $0x0  }
0x14f: {  	v56 =	vnsel vm12, $0x0, v23  }
0x150: {  	v24 =	vmin.u32 v56, $0x35CF;
	_ =	sdelay $0x4  }
0x151: {  	s31 =	sadd.s32 $0xFFFFFFE0, s26;
	v57 =	vld.idx.msk [tilespmem:v24+s16+$0x0], $0xffff  }
0x152: {  	v58 =	vor.u32 s31, v21;
	v24 =	vld.idx.msk [tilespmem:v24+s17+$0x0], $0xffff  }
0x153: {  	v59 =	vor.u32 s31, v22;
	_ =	sdelay $0x1  }
0x154: {  	vm13 =	vgt.s32 v23, $0xFFFFFFFF  }
0x155: {  	v23 =	vnsel vm13, $0xBF800000, v57  }
0x156: {  	v24 =	vnsel vm13, $0xBF800000, v24;
	[tilespmem:v58+s18+$0x0] =	vst.idx.msk $0xffff, v23  }
0x157: {  	[tilespmem:v59+s18+$0x0] =	vst.idx.msk $0xffff, v24  }
0x158: {  	v23 =	vld [tilespmem:s28+$0x10];
	_ =	sdelay $0x4  }
0x159: {  	vm14 =	vgt.s32 v23, $0x0  }
0x15a: {  	v60 =	vnsel vm14, $0x0, v23  }
0x15b: {  	v24 =	vmin.u32 v60, $0x35CF;
	_ =	sdelay $0x4  }
0x15c: {  	v61 =	vld.idx.msk [tilespmem:v24+s16+$0x0], $0xffff  }
0x15d: {  	v62 =	vor.u32 s26, v21;
	s25 =	sadd.s32 $0x4, s25;
	v24 =	vld.idx.msk [tilespmem:v24+s17+$0x0], $0xffff  }
0x15e: {  	v63 =	vor.u32 s26, v22;
	p0 =	slt.u32 s25, $0xC  }
.Ltmp3:
0x15f: {  	_ = 	snop;
	(pc) =	sbr.rel @p0 .LBB2_10-.Ltmp3, $4  }
0x160: {  	vm15 =	vgt.s32 v23, $0xFFFFFFFF  }
0x161: {  	v23 =	vnsel vm15, $0xBF800000, v61  }
0x162: {  	[tilespmem:v62+s18+$0x0] =	vst.idx.msk $0xffff, v23;
	v23 =	vnsel vm15, $0xBF800000, v24  }
0x163: {  	s26 =	sadd.s32 $0x80, s26;
	s28 =	sadd.s32 $0x40, s28;
	[tilespmem:v63+s18+$0x0] =	vst.idx.msk $0xffff, v23  }
0x164: {  	s23 =	sadd.s32 $0x1, s23  }
0x165: {  	p0 =	sne.s32 s23, $0x8  }
.Ltmp4:
0x166: {  	_ = 	snop;
	(pc) =	sbr.rel @p0 .LBB2_9-.Ltmp4, $2  }
0x167: {  	_ =	sdelay $0x2  }
0x168: {  	s22 =	sadd.s32 $0x100, s22  }
0x169: {  	s20 =	sadd.s32 $0x1, s20  }
0x16a: {  	s21 =	sshll.u32 s21, $0x6;
	p0 =	sne.s32 s20, $0x8  }
.Ltmp5:
0x16b: {  	s21 =	sadd.s32 s21, s8;
	(pc) =	sbr.rel @p0 .LBB2_8-.Ltmp5, $4  }
0x16c: {  	[hbm4b:s21+s2] =	stream.linear.scatter [tilespmem:s18], [sflag:$0x1], $0x1000, $0x38;
	[tilespmem:$0x1CEC0] =	vst v63  }
0x16d: {  	_ =	swait.ge [sflag:s10], $0x1000  }
0x16e: {  	[sflag:s10] =	ssyncset.done $0x0  }
0x16f: {  	[sflag:s10] =	ssyncadd.s32 $0xFFFFF000  }
0x170: {  	s19 =	sadd.s32 $0x1, s19  }
0x171: {  	p0 =	sne.s32 s19, s9  }
.Ltmp6:
0x172: {  	_ = 	snop;
	(pc) =	sbr.rel @p0 .LBB2_1-.Ltmp6, $1  }
0x173: {  	_ =	sdelay $0x3  }
0x174: {  	_ =	sfence.sel $0x180000  }
0x175: {  	[bflag:$0x0] =	sbarrier.arrive $0xFFFF  }
0x176: {  	p0 =	sne.s32 s1, $0x0;
	_ =	strace $0x90000047  }
0x177: {  	s0 =	sadd.s32 @!p0 $0x100000, s0;
	[bflag:$0x2] =	sbarrier.arrive $0xFFFF  }
0x178: {  	[sflag:s0] =	ssyncadd.tile.s32 @!p0 $0x1;
	_ =	shalt  }
.Lfunc_end2:
_tile_overlayer_lowered:
.L_overlay_start_2:
0x179: {  	(tag) =	ssettag $0x2  }
0x17a: {  	s0 =	rddreg [dreg:$0x0];
	s2 =	stileid.u32  }
0x17b: {  	s1 =	rddreg [dreg:$0x1];
	p0 =	sne.s32 s2, $0x0  }
0x17c: {  	s3 =	rddreg [dreg:$0x2];
	[bflag:$0x3] =	sbarrier.arrive $0xFFFF;
	s2 =	simm.s32 @!p0 $0x1C01  }
0x17d: {  	[timem:s3], [sflag:s2] =	dma.local @!p0 [hbm:s0], s1  }
0x17e: {  	s0 =	simm.s32 @!p0 $0x1  }
0x17f: {  	_ =	swait.ge @!p0 [sflag:s0], s1  }
0x180: {  	s1 =	ssub.s32 @!p0 $0x0, s1;
	[sflag:s0] =	ssyncset.done @!p0 $0x0  }
0x181: {  	[sflag:s0] =	ssyncadd.s32 @!p0 s1  }
0x182: {  	[bflag:$0x3] =	sbarrier.arrive $0xFFFF  }
0x183: {  	_ =	shalt  }

</sc_bundles>
